<compile_context>
chip_gen: v7x
topology: tpu7x:2x2x1
jax: 0.10.2.dev20260603
libtpu: 0.0.44.dev20260713+nightly
codegen_flags: <defaults>
</compile_context>

<pallas_src>
import functools

import jax
import jax.numpy as jnp
from jax import lax
from jax.experimental import pallas as pl
from jax.experimental.pallas import tpu as pltpu
from jax.experimental.pallas import tpu_sc as plsc

NC = 2
NS = 16
C = 128
PW = 32
NP = 2
L = 16


def _sc_aggregate(features, src3, dst3, npad, k_chunks):
    n_nodes = features.shape[0]
    nr = n_nodes // NS
    rows_per_tile = npad // NS
    nfull, rem = divmod(rows_per_tile, C)

    mesh = plsc.VectorSubcoreMesh(core_axis_name="c", subcore_axis_name="s",
                                  num_cores=NC, num_subcores=NS)

    @functools.partial(
        pl.kernel,
        mesh=mesh,
        compiler_params=pltpu.CompilerParams(use_tc_tiling_on_sc=False,
                                             needs_layout_passes=False),
        out_type=(
            jax.ShapeDtypeStruct((NC * NP, npad, PW), jnp.float32),
            jax.ShapeDtypeStruct((NS, npad), jnp.float32),
        ),
        scratch_types=dict(
            src_v=pltpu.VMEM((k_chunks + 2, C), jnp.int32),
            dst_v=pltpu.VMEM((k_chunks, C), jnp.int32),
            rows0=pltpu.VMEM((C, PW), jnp.float32),
            rows1=pltpu.VMEM((C, PW), jnp.float32),
            rows2=pltpu.VMEM((C, PW), jnp.float32),
            rows3=pltpu.VMEM((C, PW), jnp.float32),
            zsum_v=pltpu.VMEM((C, PW), jnp.float32),
            hist_v=pltpu.VMEM((npad,), jnp.float32),
            gsems=(pltpu.SemaphoreType.DMA, pltpu.SemaphoreType.DMA,
                   pltpu.SemaphoreType.DMA, pltpu.SemaphoreType.DMA),
            ssems=(pltpu.SemaphoreType.DMA, pltpu.SemaphoreType.DMA,
                   pltpu.SemaphoreType.DMA, pltpu.SemaphoreType.DMA),
            feat_sh=pltpu.VMEM_SHARED((npad, PW), jnp.float32),
            sums_sh=pltpu.VMEM_SHARED((npad, PW), jnp.float32),
        ),
    )
    def agg(feat_hbm, src_hbm, dst_hbm, psum_hbm, hh_hbm,
            src_v, dst_v, rows0, rows1, rows2, rows3, zsum_v, hist_v,
            gsems, ssems, feat_sh, sums_sh):
        bufs = (rows0, rows1, rows2, rows3)
        cid = lax.axis_index("c")
        sid = lax.axis_index("s")
        base = sid * rows_per_tile

        zv = jnp.zeros((L,), jnp.float32)
        ov = jnp.ones((L,), jnp.float32)

        def fill_row(i, _):
            for cc in range(PW // L):
                zsum_v[i, pl.ds(cc * L, L)] = zv
            return 0
        lax.fori_loop(0, C, fill_row, 0)

        def zero_hist(i, _):
            hist_v[pl.ds(i * L, L)] = zv
            return 0
        lax.fori_loop(0, npad // L, zero_hist, 0)

        pltpu.sync_copy(src_hbm.at[sid], src_v.at[pl.ds(0, k_chunks)])
        pltpu.sync_copy(dst_hbm.at[sid], dst_v)
        for r in range(2):
            for cc in range(C // 16):
                src_v[k_chunks + r, pl.ds(cc * 16, 16)] = (
                    jnp.zeros((16,), jnp.int32))

        for p in range(NP):
            g = cid * NP + p

            pltpu.sync_copy(
                feat_hbm.at[pl.ds(sid * nr, nr), pl.ds(g * PW, PW)],
                feat_sh.at[pl.ds(sid * nr, nr)])
            for j in range(nfull):
                pltpu.sync_copy(zsum_v, sums_sh.at[pl.ds(base + j * C, C)])
            if rem:
                pltpu.sync_copy(zsum_v.at[pl.ds(0, rem)],
                                sums_sh.at[pl.ds(base + nfull * C, rem)])
            plsc.subcore_barrier()

            for b in range(2):
                pltpu.async_copy(feat_sh.at[src_v.at[b]], bufs[b], gsems[b])

            def step(t, _):
                for b in range(4):
                    j = 4 * t + b
                    rv = bufs[b]
                    bn = (b + 2) % 4
                    pltpu.make_async_copy(feat_sh.at[src_v.at[j]], rv,
                                          gsems[b]).wait()
                    pltpu.async_copy(rv, sums_sh.at[dst_v.at[j]], ssems[b],
                                     add=True)
                    if p == 0:
                        for m in range(C // L):
                            dv = dst_v[j, pl.ds(m * L, L)]
                            plsc.addupdate_scatter(hist_v, [dv], ov)

                    def _prefetch():
                        pltpu.make_async_copy(bufs[bn],
                                              sums_sh.at[dst_v.at[j]],
                                              ssems[bn]).wait()
                        pltpu.async_copy(feat_sh.at[src_v.at[j + 2]],
                                         bufs[bn], gsems[bn])
                    if b < 2:
                        @pl.when(t > 0)
                        def _pf_guard():
                            _prefetch()

                        @pl.when(t == 0)
                        def _pf_first():
                            pltpu.async_copy(feat_sh.at[src_v.at[j + 2]],
                                             bufs[bn], gsems[bn])
                    else:
                        _prefetch()
                return 0
            lax.fori_loop(0, k_chunks // 4, step, 0)
            for b in range(2):
                pltpu.make_async_copy(bufs[b + 2],
                                      sums_sh.at[dst_v.at[0]],
                                      ssems[b + 2]).wait()
                pltpu.make_async_copy(feat_sh.at[src_v.at[0]], bufs[b],
                                      gsems[b]).wait()
            plsc.subcore_barrier()

            pltpu.sync_copy(sums_sh.at[pl.ds(base, rows_per_tile)],
                            psum_hbm.at[g, pl.ds(base, rows_per_tile)])
            if p == 0:
                @pl.when(cid == 0)
                def _publish_hist():
                    pltpu.sync_copy(hist_v, hh_hbm.at[sid])

    return agg(features, src3, dst3)


def _combine_body(ps_ref, pc_ref, o_ref):
    cnt = jnp.sum(pc_ref[...], axis=1)
    inv = 1.0 / jnp.maximum(cnt, 1.0)[:, None]
    for gg in range(NC * NP):
        o_ref[:, gg * PW:(gg + 1) * PW] = ps_ref[gg] * inv


def kernel(features, edge_index):
    n_nodes, d_feat = features.shape
    n_edges = edge_index.shape[1]

    per_tile = -(-n_edges // (NS * 4 * C)) * 4 * C
    k_chunks = per_tile // C
    tot = per_tile * NS
    npad = -(-(n_nodes + 1) // (NS * 8)) * (NS * 8)

    src = edge_index[0]
    dst = edge_index[1]
    pad = tot - n_edges
    if pad:
        src = jnp.concatenate([src, jnp.zeros((pad,), jnp.int32)])
        dst = jnp.concatenate([dst, jnp.full((pad,), n_nodes, jnp.int32)])
    src3 = src.reshape(NS, k_chunks, C)
    dst3 = dst.reshape(NS, k_chunks, C)

    psums, pcnts = _sc_aggregate(features, src3, dst3, npad, k_chunks)

    rblk = 2000
    grid = -(-n_nodes // rblk)
    out = pl.pallas_call(
        _combine_body,
        grid=(grid,),
        in_specs=[
            pl.BlockSpec((NC * NP, rblk, PW), lambda i: (0, i, 0)),
            pl.BlockSpec((rblk, NS), lambda i: (i, 0)),
        ],
        out_specs=pl.BlockSpec((rblk, d_feat), lambda i: (i, 0)),
        out_shape=jax.ShapeDtypeStruct((n_nodes, d_feat), jnp.float32),
    )(psums, pcnts.T)
    return out

# --- scband reference (transcript-rebuilt; emitter-appended) ---
"""Pipeline reference for scband-mean-aggregator-79035988181013 (READ-ONLY COPY).

The authoritative reference and input builder live on the scoring server;
editing this copy changes nothing except your own understanding.
"""

import jax, jax.numpy as jnp
import numpy as np

N_NODES = 10000
D_FEAT = 128
N_EDGES = 320000


def setup_inputs(seed: int = 0) -> dict:
    key = jax.random.key(seed)
    k1, k2 = jax.random.split(key)
    # features: the node feature matrix (stands in for the `features` callable
    # passed to MeanAggregator.__init__, i.e. features(idx) == table[idx])
    features = jax.random.normal(k1, (N_NODES, D_FEAT), dtype=jnp.float32)
    # edge_index: flattened (src, dst) pairs representing the sampled neighbor
    # sets `to_neighs` for the batch of nodes.
    edge_index = jax.random.randint(k2, (2, N_EDGES), 0, N_NODES, dtype=jnp.int32)
    return {"features": features, "edge_index": edge_index}


def reference(features, edge_index):
    # Faithful mean aggregation: for each destination node, gather the
    # embeddings of its (sampled) neighbors and average them. This is exactly
    # what mask.div(num_neigh); mask.mm(embed_matrix) computes in the torch
    # module, expressed as gather + segment-sum (SparseCore-friendly).
    src = edge_index[0]
    dst = edge_index[1]
    # embed_matrix = self.features(unique_nodes)  ->  gather
    gathered = jnp.take(features, src, axis=0)
    # mask.mm(embed_matrix)  ->  scatter-add over destination nodes
    sums = jax.ops.segment_sum(gathered, dst, num_segments=N_NODES)
    # num_neigh = mask.sum(1); mask = mask.div(num_neigh)  ->  divide by degree
    counts = jax.ops.segment_sum(
        jnp.ones((src.shape[0],), dtype=jnp.float32), dst, num_segments=N_NODES
    )
    counts = jnp.maximum(counts, 1.0)[:, None]
    to_feats = sums / counts
    return to_feats

if __name__ == "__main__":
    import jax
    _d = setup_inputs()
    print(jax.jit(kernel)(*tuple(_d.values())))

</pallas_src>

<mosaic_0001>
#map = affine_map<(d0, d1) -> (0, 0)>
#map1 = affine_map<(d0, d1) -> (0, 0, 0)>
module attributes {stable_mosaic.version = 14 : i64} {
  func.func @agg(%arg0: i32, %arg1: i32, %arg2: memref<10000x128xf32, #tpu.memory_space<hbm>>, %arg3: memref<16x160x128xi32, #tpu.memory_space<hbm>>, %arg4: memref<16x160x128xi32, #tpu.memory_space<hbm>>, %arg5: memref<4x10112x32xf32, #tpu.memory_space<hbm>>, %arg6: memref<16x10112xf32, #tpu.memory_space<hbm>>, %arg7: memref<160x128xi32, #tpu.memory_space<vmem>>, %arg8: memref<10112x32xf32, #tpu.memory_space<vmem_shared>>, %arg9: memref<!tpu.dma_semaphore, #tpu.memory_space<semaphore_mem>>, %arg10: memref<!tpu.dma_semaphore, #tpu.memory_space<semaphore_mem>>, %arg11: memref<!tpu.dma_semaphore, #tpu.memory_space<semaphore_mem>>, %arg12: memref<!tpu.dma_semaphore, #tpu.memory_space<semaphore_mem>>, %arg13: memref<10112xf32, #tpu.memory_space<vmem>>, %arg14: memref<128x32xf32, #tpu.memory_space<vmem>>, %arg15: memref<128x32xf32, #tpu.memory_space<vmem>>, %arg16: memref<128x32xf32, #tpu.memory_space<vmem>>, %arg17: memref<128x32xf32, #tpu.memory_space<vmem>>, %arg18: memref<162x128xi32, #tpu.memory_space<vmem>>, %arg19: memref<!tpu.dma_semaphore, #tpu.memory_space<semaphore_mem>>, %arg20: memref<!tpu.dma_semaphore, #tpu.memory_space<semaphore_mem>>, %arg21: memref<!tpu.dma_semaphore, #tpu.memory_space<semaphore_mem>>, %arg22: memref<!tpu.dma_semaphore, #tpu.memory_space<semaphore_mem>>, %arg23: memref<10112x32xf32, #tpu.memory_space<vmem_shared>>, %arg24: memref<128x32xf32, #tpu.memory_space<vmem>>) attributes {dimension_semantics = [#tpu.dimension_semantics<core_parallel>, #tpu.dimension_semantics<subcore_parallel>], iteration_bounds = array<i64: 2, 16>, scalar_prefetch = 0 : i64, scratch_operands = 18 : i64, tpu.core_type = #tpu.core_type<sc_vector_subcore>, window_params = [{transform_indices = #map}, {transform_indices = #map1}, {transform_indices = #map1}, {transform_indices = #map1}, {transform_indices = #map}]} {
    %mul3A = arith.constant 632 : i32
    %mul3A_0 = arith.muli %arg1, %mul3A : i32
    %broadcast_in_dim3A = arith.constant 0.000000e+00 : f32
    %broadcast_in_dim3A_1 = vector.broadcast %broadcast_in_dim3A : f32 to vector<16xf32>
    %broadcast_in_dim3A_2 = arith.constant 1.000000e+00 : f32
    %broadcast_in_dim3A_3 = vector.broadcast %broadcast_in_dim3A_2 : f32 to vector<16xf32>
    %scan3A = arith.constant 0 : i32
    %scan3A_4 = arith.constant 0 : i32
    %scan3A_5 = arith.constant 128 : i32
    %scan3A_6 = arith.addi %scan3A_4, %scan3A_5 : i32
    %scan3A_7 = arith.constant 1 : i32
    %scan3A_8 = scf.for %scan3A_252 = %scan3A_4 to %scan3A_6 step %scan3A_7 iter_args(%scan3A_253 = %scan3A) -> (i32)  : i32 {
      %swap3A_254 = arith.index_cast %scan3A_252 : i32 to index
      %swap3A_255 = arith.constant 0 : index
      %swap3A_256 = tpu.vector_load %arg24[%swap3A_254, %swap3A_255] {strides = array<i32>} : memref<128x32xf32, #tpu.memory_space<vmem>>, vector<16xf32>,
      tpu.vector_store %arg24[%swap3A_254, %swap3A_255], %broadcast_in_dim3A_1 {strides = array<i32>} : memref<128x32xf32, #tpu.memory_space<vmem>>, vector<16xf32>,
      %swap3A_257 = arith.index_cast %scan3A_252 : i32 to index
      %swap3A_258 = arith.constant 16 : index
      %swap3A_259 = tpu.vector_load %arg24[%swap3A_257, %swap3A_258] {strides = array<i32>} : memref<128x32xf32, #tpu.memory_space<vmem>>, vector<16xf32>,
      tpu.vector_store %arg24[%swap3A_257, %swap3A_258], %broadcast_in_dim3A_1 {strides = array<i32>} : memref<128x32xf32, #tpu.memory_space<vmem>>, vector<16xf32>,
      %scan3A_260 = arith.constant 0 : i32
      scf.yield %scan3A_260 : i32
    }
    %scan3A_9 = arith.constant 128 : i32
    %scan3A_10 = arith.constant 0 : i32
    %scan3A_11 = arith.constant 0 : i32
    %scan3A_12 = arith.constant 632 : i32
    %scan3A_13 = arith.addi %scan3A_11, %scan3A_12 : i32
    %scan3A_14 = arith.constant 1 : i32
    %scan3A_15 = scf.for %scan3A_252 = %scan3A_11 to %scan3A_13 step %scan3A_14 iter_args(%scan3A_253 = %scan3A_10) -> (i32)  : i32 {
      %mul3A_254 = arith.constant 16 : i32
      %mul3A_255 = arith.muli %scan3A_252, %mul3A_254 : i32
      %swap3A_256 = arith.index_cast %mul3A_255 : i32 to index
      %swap3A_257 = tpu.vector_load %arg13[%swap3A_256] {strides = array<i32>} : memref<10112xf32, #tpu.memory_space<vmem>>, vector<16xf32>,
      tpu.vector_store %arg13[%swap3A_256], %broadcast_in_dim3A_1 {strides = array<i32>} : memref<10112xf32, #tpu.memory_space<vmem>>, vector<16xf32>,
      %scan3A_258 = arith.constant 0 : i32
      scf.yield %scan3A_258 : i32
    }
    %scan3A_16 = arith.constant 632 : i32
    "tpu.region"() ({
      %run_scoped3A = tpu.sem_alloc : memref<!tpu.dma_semaphore, #tpu.memory_space<semaphore_mem>>
      %dma_start3A_252 = arith.constant 0 : i32
      %dma_start3A_253 = arith.constant 0 : i32
      %dma_start3A_254 = tpu.memref_slice %arg18[%dma_start3A_252, %dma_start3A_253] : memref<162x128xi32, #tpu.memory_space<vmem>> -> memref<160x128xi32, #tpu.memory_space<vmem>>
      %dma_start3A_255 = arith.constant 0 : i32
      %dma_start3A_256 = arith.constant 0 : i32
      %dma_start3A_257 = tpu.memref_slice %arg3[%arg1, %dma_start3A_255, %dma_start3A_256] : memref<16x160x128xi32, #tpu.memory_space<hbm>> -> memref<1x160x128xi32, #tpu.memory_space<hbm>>
      %dma_start3A_258 = tpu.memref_squeeze %dma_start3A_257 : memref<1x160x128xi32, #tpu.memory_space<hbm>> -> memref<160x128xi32, #tpu.memory_space<hbm>>
      %dma_start3A_259 = arith.constant 0 : i32
      %dma_start3A_260 = arith.constant 0 : i32
      %dma_start3A_261 = tpu.memref_slice %arg18[%dma_start3A_259, %dma_start3A_260] : memref<162x128xi32, #tpu.memory_space<vmem>> -> memref<160x128xi32, #tpu.memory_space<vmem>>
      %dma_start3A_262 = arith.constant 0 : i32
      %dma_start3A_263 = arith.constant 0 : i32
      %dma_start3A_264 = tpu.memref_slice %arg3[%arg1, %dma_start3A_262, %dma_start3A_263] : memref<16x160x128xi32, #tpu.memory_space<hbm>> -> memref<1x160x128xi32, #tpu.memory_space<hbm>>
      %dma_start3A_265 = tpu.memref_squeeze %dma_start3A_264 : memref<1x160x128xi32, #tpu.memory_space<hbm>> -> memref<160x128xi32, #tpu.memory_space<hbm>>
      tpu.enqueue_dma source(%dma_start3A_265 : memref<160x128xi32, #tpu.memory_space<hbm>>) target(%dma_start3A_261 : memref<160x128xi32, #tpu.memory_space<vmem>>) target_semaphore(%run_scoped3A : memref<!tpu.dma_semaphore, #tpu.memory_space<semaphore_mem>>)
      %dma_wait3A_266 = arith.constant 0 : i32
      %dma_wait3A_267 = arith.constant 0 : i32
      %dma_wait3A_268 = tpu.memref_slice %arg18[%dma_wait3A_266, %dma_wait3A_267] : memref<162x128xi32, #tpu.memory_space<vmem>> -> memref<160x128xi32, #tpu.memory_space<vmem>>
      %dma_wait3A_269 = arith.constant 0 : i32
      %dma_wait3A_270 = arith.constant 0 : i32
      %dma_wait3A_271 = tpu.memref_slice %arg3[%arg1, %dma_wait3A_269, %dma_wait3A_270] : memref<16x160x128xi32, #tpu.memory_space<hbm>> -> memref<1x160x128xi32, #tpu.memory_space<hbm>>
      %dma_wait3A_272 = tpu.memref_squeeze %dma_wait3A_271 : memref<1x160x128xi32, #tpu.memory_space<hbm>> -> memref<160x128xi32, #tpu.memory_space<hbm>>
      %dma_wait3A_273 = arith.constant 0 : i32
      %dma_wait3A_274 = arith.constant 0 : i32
      %dma_wait3A_275 = tpu.memref_slice %arg18[%dma_wait3A_273, %dma_wait3A_274] : memref<162x128xi32, #tpu.memory_space<vmem>> -> memref<160x128xi32, #tpu.memory_space<vmem>>
      %dma_wait3A_276 = arith.constant 0 : i32
      %dma_wait3A_277 = arith.constant 0 : i32
      %dma_wait3A_278 = tpu.memref_slice %arg3[%arg1, %dma_wait3A_276, %dma_wait3A_277] : memref<16x160x128xi32, #tpu.memory_space<hbm>> -> memref<1x160x128xi32, #tpu.memory_space<hbm>>
      %dma_wait3A_279 = tpu.memref_squeeze %dma_wait3A_278 : memref<1x160x128xi32, #tpu.memory_space<hbm>> -> memref<160x128xi32, #tpu.memory_space<hbm>>
      tpu.wait_dma2 semaphore(%run_scoped3A : memref<!tpu.dma_semaphore, #tpu.memory_space<semaphore_mem>>) src(%dma_wait3A_279 : memref<160x128xi32, #tpu.memory_space<hbm>>) dst(%dma_wait3A_275 : memref<160x128xi32, #tpu.memory_space<vmem>>)
      tpu.yield
    }) : () -> ()
    "tpu.region"() ({
      %run_scoped3A = tpu.sem_alloc : memref<!tpu.dma_semaphore, #tpu.memory_space<semaphore_mem>>
      %dma_start3A_252 = arith.constant 0 : i32
      %dma_start3A_253 = arith.constant 0 : i32
      %dma_start3A_254 = tpu.memref_slice %arg4[%arg1, %dma_start3A_252, %dma_start3A_253] : memref<16x160x128xi32, #tpu.memory_space<hbm>> -> memref<1x160x128xi32, #tpu.memory_space<hbm>>
      %dma_start3A_255 = tpu.memref_squeeze %dma_start3A_254 : memref<1x160x128xi32, #tpu.memory_space<hbm>> -> memref<160x128xi32, #tpu.memory_space<hbm>>
      %dma_start3A_256 = arith.constant 0 : i32
      %dma_start3A_257 = arith.constant 0 : i32
      %dma_start3A_258 = tpu.memref_slice %arg4[%arg1, %dma_start3A_256, %dma_start3A_257] : memref<16x160x128xi32, #tpu.memory_space<hbm>> -> memref<1x160x128xi32, #tpu.memory_space<hbm>>
      %dma_start3A_259 = tpu.memref_squeeze %dma_start3A_258 : memref<1x160x128xi32, #tpu.memory_space<hbm>> -> memref<160x128xi32, #tpu.memory_space<hbm>>
      tpu.enqueue_dma source(%dma_start3A_259 : memref<160x128xi32, #tpu.memory_space<hbm>>) target(%arg7 : memref<160x128xi32, #tpu.memory_space<vmem>>) target_semaphore(%run_scoped3A : memref<!tpu.dma_semaphore, #tpu.memory_space<semaphore_mem>>)
      %dma_wait3A_260 = arith.constant 0 : i32
      %dma_wait3A_261 = arith.constant 0 : i32
      %dma_wait3A_262 = tpu.memref_slice %arg4[%arg1, %dma_wait3A_260, %dma_wait3A_261] : memref<16x160x128xi32, #tpu.memory_space<hbm>> -> memref<1x160x128xi32, #tpu.memory_space<hbm>>
      %dma_wait3A_263 = tpu.memref_squeeze %dma_wait3A_262 : memref<1x160x128xi32, #tpu.memory_space<hbm>> -> memref<160x128xi32, #tpu.memory_space<hbm>>
      %dma_wait3A_264 = arith.constant 0 : i32
      %dma_wait3A_265 = arith.constant 0 : i32
      %dma_wait3A_266 = tpu.memref_slice %arg4[%arg1, %dma_wait3A_264, %dma_wait3A_265] : memref<16x160x128xi32, #tpu.memory_space<hbm>> -> memref<1x160x128xi32, #tpu.memory_space<hbm>>
      %dma_wait3A_267 = tpu.memref_squeeze %dma_wait3A_266 : memref<1x160x128xi32, #tpu.memory_space<hbm>> -> memref<160x128xi32, #tpu.memory_space<hbm>>
      tpu.wait_dma2 semaphore(%run_scoped3A : memref<!tpu.dma_semaphore, #tpu.memory_space<semaphore_mem>>) src(%dma_wait3A_267 : memref<160x128xi32, #tpu.memory_space<hbm>>) dst(%arg7 : memref<160x128xi32, #tpu.memory_space<vmem>>)
      tpu.yield
    }) : () -> ()
    %broadcast_in_dim3A_17 = arith.constant 0 : i32
    %broadcast_in_dim3A_18 = vector.broadcast %broadcast_in_dim3A_17 : i32 to vector<16xi32>
    %swap3A = arith.constant 160 : i32
    %swap3A_19 = arith.index_cast %swap3A : i32 to index
    %swap3A_20 = arith.constant 0 : index
    %swap3A_21 = tpu.vector_load %arg18[%swap3A_19, %swap3A_20] {strides = array<i32>} : memref<162x128xi32, #tpu.memory_space<vmem>>, vector<16xi32>,
    tpu.vector_store %arg18[%swap3A_19, %swap3A_20], %broadcast_in_dim3A_18 {strides = array<i32>} : memref<162x128xi32, #tpu.memory_space<vmem>>, vector<16xi32>,
    %broadcast_in_dim3A_22 = arith.constant 0 : i32
    %broadcast_in_dim3A_23 = vector.broadcast %broadcast_in_dim3A_22 : i32 to vector<16xi32>
    %swap3A_24 = arith.constant 160 : i32
    %swap3A_25 = arith.index_cast %swap3A_24 : i32 to index
    %swap3A_26 = arith.constant 16 : index
    %swap3A_27 = tpu.vector_load %arg18[%swap3A_25, %swap3A_26] {strides = array<i32>} : memref<162x128xi32, #tpu.memory_space<vmem>>, vector<16xi32>,
    tpu.vector_store %arg18[%swap3A_25, %swap3A_26], %broadcast_in_dim3A_23 {strides = array<i32>} : memref<162x128xi32, #tpu.memory_space<vmem>>, vector<16xi32>,
    %broadcast_in_dim3A_28 = arith.constant 0 : i32
    %broadcast_in_dim3A_29 = vector.broadcast %broadcast_in_dim3A_28 : i32 to vector<16xi32>
    %swap3A_30 = arith.constant 160 : i32
    %swap3A_31 = arith.index_cast %swap3A_30 : i32 to index
    %swap3A_32 = arith.constant 32 : index
    %swap3A_33 = tpu.vector_load %arg18[%swap3A_31, %swap3A_32] {strides = array<i32>} : memref<162x128xi32, #tpu.memory_space<vmem>>, vector<16xi32>,
    tpu.vector_store %arg18[%swap3A_31, %swap3A_32], %broadcast_in_dim3A_29 {strides = array<i32>} : memref<162x128xi32, #tpu.memory_space<vmem>>, vector<16xi32>,
    %broadcast_in_dim3A_34 = arith.constant 0 : i32
    %broadcast_in_dim3A_35 = vector.broadcast %broadcast_in_dim3A_34 : i32 to vector<16xi32>
    %swap3A_36 = arith.constant 160 : i32
    %swap3A_37 = arith.index_cast %swap3A_36 : i32 to index
    %swap3A_38 = arith.constant 48 : index
    %swap3A_39 = tpu.vector_load %arg18[%swap3A_37, %swap3A_38] {strides = array<i32>} : memref<162x128xi32, #tpu.memory_space<vmem>>, vector<16xi32>,
    tpu.vector_store %arg18[%swap3A_37, %swap3A_38], %broadcast_in_dim3A_35 {strides = array<i32>} : memref<162x128xi32, #tpu.memory_space<vmem>>, vector<16xi32>,
    %broadcast_in_dim3A_40 = arith.constant 0 : i32
    %broadcast_in_dim3A_41 = vector.broadcast %broadcast_in_dim3A_40 : i32 to vector<16xi32>
    %swap3A_42 = arith.constant 160 : i32
    %swap3A_43 = arith.index_cast %swap3A_42 : i32 to index
    %swap3A_44 = arith.constant 64 : index
    %swap3A_45 = tpu.vector_load %arg18[%swap3A_43, %swap3A_44] {strides = array<i32>} : memref<162x128xi32, #tpu.memory_space<vmem>>, vector<16xi32>,
    tpu.vector_store %arg18[%swap3A_43, %swap3A_44], %broadcast_in_dim3A_41 {strides = array<i32>} : memref<162x128xi32, #tpu.memory_space<vmem>>, vector<16xi32>,
    %broadcast_in_dim3A_46 = arith.constant 0 : i32
    %broadcast_in_dim3A_47 = vector.broadcast %broadcast_in_dim3A_46 : i32 to vector<16xi32>
    %swap3A_48 = arith.constant 160 : i32
    %swap3A_49 = arith.index_cast %swap3A_48 : i32 to index
    %swap3A_50 = arith.constant 80 : index
    %swap3A_51 = tpu.vector_load %arg18[%swap3A_49, %swap3A_50] {strides = array<i32>} : memref<162x128xi32, #tpu.memory_space<vmem>>, vector<16xi32>,
    tpu.vector_store %arg18[%swap3A_49, %swap3A_50], %broadcast_in_dim3A_47 {strides = array<i32>} : memref<162x128xi32, #tpu.memory_space<vmem>>, vector<16xi32>,
    %broadcast_in_dim3A_52 = arith.constant 0 : i32
    %broadcast_in_dim3A_53 = vector.broadcast %broadcast_in_dim3A_52 : i32 to vector<16xi32>
    %swap3A_54 = arith.constant 160 : i32
    %swap3A_55 = arith.index_cast %swap3A_54 : i32 to index
    %swap3A_56 = arith.constant 96 : index
    %swap3A_57 = tpu.vector_load %arg18[%swap3A_55, %swap3A_56] {strides = array<i32>} : memref<162x128xi32, #tpu.memory_space<vmem>>, vector<16xi32>,
    tpu.vector_store %arg18[%swap3A_55, %swap3A_56], %broadcast_in_dim3A_53 {strides = array<i32>} : memref<162x128xi32, #tpu.memory_space<vmem>>, vector<16xi32>,
    %broadcast_in_dim3A_58 = arith.constant 0 : i32
    %broadcast_in_dim3A_59 = vector.broadcast %broadcast_in_dim3A_58 : i32 to vector<16xi32>
    %swap3A_60 = arith.constant 160 : i32
    %swap3A_61 = arith.index_cast %swap3A_60 : i32 to index
    %swap3A_62 = arith.constant 112 : index
    %swap3A_63 = tpu.vector_load %arg18[%swap3A_61, %swap3A_62] {strides = array<i32>} : memref<162x128xi32, #tpu.memory_space<vmem>>, vector<16xi32>,
    tpu.vector_store %arg18[%swap3A_61, %swap3A_62], %broadcast_in_dim3A_59 {strides = array<i32>} : memref<162x128xi32, #tpu.memory_space<vmem>>, vector<16xi32>,
    %broadcast_in_dim3A_64 = arith.constant 0 : i32
    %broadcast_in_dim3A_65 = vector.broadcast %broadcast_in_dim3A_64 : i32 to vector<16xi32>
    %swap3A_66 = arith.constant 161 : i32
    %swap3A_67 = arith.index_cast %swap3A_66 : i32 to index
    %swap3A_68 = arith.constant 0 : index
    %swap3A_69 = tpu.vector_load %arg18[%swap3A_67, %swap3A_68] {strides = array<i32>} : memref<162x128xi32, #tpu.memory_space<vmem>>, vector<16xi32>,
    tpu.vector_store %arg18[%swap3A_67, %swap3A_68], %broadcast_in_dim3A_65 {strides = array<i32>} : memref<162x128xi32, #tpu.memory_space<vmem>>, vector<16xi32>,
    %broadcast_in_dim3A_70 = arith.constant 0 : i32
    %broadcast_in_dim3A_71 = vector.broadcast %broadcast_in_dim3A_70 : i32 to vector<16xi32>
    %swap3A_72 = arith.constant 161 : i32
    %swap3A_73 = arith.index_cast %swap3A_72 : i32 to index
    %swap3A_74 = arith.constant 16 : index
    %swap3A_75 = tpu.vector_load %arg18[%swap3A_73, %swap3A_74] {strides = array<i32>} : memref<162x128xi32, #tpu.memory_space<vmem>>, vector<16xi32>,
    tpu.vector_store %arg18[%swap3A_73, %swap3A_74], %broadcast_in_dim3A_71 {strides = array<i32>} : memref<162x128xi32, #tpu.memory_space<vmem>>, vector<16xi32>,
    %broadcast_in_dim3A_76 = arith.constant 0 : i32
    %broadcast_in_dim3A_77 = vector.broadcast %broadcast_in_dim3A_76 : i32 to vector<16xi32>
    %swap3A_78 = arith.constant 161 : i32
    %swap3A_79 = arith.index_cast %swap3A_78 : i32 to index
    %swap3A_80 = arith.constant 32 : index
    %swap3A_81 = tpu.vector_load %arg18[%swap3A_79, %swap3A_80] {strides = array<i32>} : memref<162x128xi32, #tpu.memory_space<vmem>>, vector<16xi32>,
    tpu.vector_store %arg18[%swap3A_79, %swap3A_80], %broadcast_in_dim3A_77 {strides = array<i32>} : memref<162x128xi32, #tpu.memory_space<vmem>>, vector<16xi32>,
    %broadcast_in_dim3A_82 = arith.constant 0 : i32
    %broadcast_in_dim3A_83 = vector.broadcast %broadcast_in_dim3A_82 : i32 to vector<16xi32>
    %swap3A_84 = arith.constant 161 : i32
    %swap3A_85 = arith.index_cast %swap3A_84 : i32 to index
    %swap3A_86 = arith.constant 48 : index
    %swap3A_87 = tpu.vector_load %arg18[%swap3A_85, %swap3A_86] {strides = array<i32>} : memref<162x128xi32, #tpu.memory_space<vmem>>, vector<16xi32>,
    tpu.vector_store %arg18[%swap3A_85, %swap3A_86], %broadcast_in_dim3A_83 {strides = array<i32>} : memref<162x128xi32, #tpu.memory_space<vmem>>, vector<16xi32>,
    %broadcast_in_dim3A_88 = arith.constant 0 : i32
    %broadcast_in_dim3A_89 = vector.broadcast %broadcast_in_dim3A_88 : i32 to vector<16xi32>
    %swap3A_90 = arith.constant 161 : i32
    %swap3A_91 = arith.index_cast %swap3A_90 : i32 to index
    %swap3A_92 = arith.constant 64 : index
    %swap3A_93 = tpu.vector_load %arg18[%swap3A_91, %swap3A_92] {strides = array<i32>} : memref<162x128xi32, #tpu.memory_space<vmem>>, vector<16xi32>,
    tpu.vector_store %arg18[%swap3A_91, %swap3A_92], %broadcast_in_dim3A_89 {strides = array<i32>} : memref<162x128xi32, #tpu.memory_space<vmem>>, vector<16xi32>,
    %broadcast_in_dim3A_94 = arith.constant 0 : i32
    %broadcast_in_dim3A_95 = vector.broadcast %broadcast_in_dim3A_94 : i32 to vector<16xi32>
    %swap3A_96 = arith.constant 161 : i32
    %swap3A_97 = arith.index_cast %swap3A_96 : i32 to index
    %swap3A_98 = arith.constant 80 : index
    %swap3A_99 = tpu.vector_load %arg18[%swap3A_97, %swap3A_98] {strides = array<i32>} : memref<162x128xi32, #tpu.memory_space<vmem>>, vector<16xi32>,
    tpu.vector_store %arg18[%swap3A_97, %swap3A_98], %broadcast_in_dim3A_95 {strides = array<i32>} : memref<162x128xi32, #tpu.memory_space<vmem>>, vector<16xi32>,
    %broadcast_in_dim3A_100 = arith.constant 0 : i32
    %broadcast_in_dim3A_101 = vector.broadcast %broadcast_in_dim3A_100 : i32 to vector<16xi32>
    %swap3A_102 = arith.constant 161 : i32
    %swap3A_103 = arith.index_cast %swap3A_102 : i32 to index
    %swap3A_104 = arith.constant 96 : index
    %swap3A_105 = tpu.vector_load %arg18[%swap3A_103, %swap3A_104] {strides = array<i32>} : memref<162x128xi32, #tpu.memory_space<vmem>>, vector<16xi32>,
    tpu.vector_store %arg18[%swap3A_103, %swap3A_104], %broadcast_in_dim3A_101 {strides = array<i32>} : memref<162x128xi32, #tpu.memory_space<vmem>>, vector<16xi32>,
    %broadcast_in_dim3A_106 = arith.constant 0 : i32
    %broadcast_in_dim3A_107 = vector.broadcast %broadcast_in_dim3A_106 : i32 to vector<16xi32>
    %swap3A_108 = arith.constant 161 : i32
    %swap3A_109 = arith.index_cast %swap3A_108 : i32 to index
    %swap3A_110 = arith.constant 112 : index
    %swap3A_111 = tpu.vector_load %arg18[%swap3A_109, %swap3A_110] {strides = array<i32>} : memref<162x128xi32, #tpu.memory_space<vmem>>, vector<16xi32>,
    tpu.vector_store %arg18[%swap3A_109, %swap3A_110], %broadcast_in_dim3A_107 {strides = array<i32>} : memref<162x128xi32, #tpu.memory_space<vmem>>, vector<16xi32>,
    %mul3A_112 = arith.constant 2 : i32
    %mul3A_113 = arith.muli %arg0, %mul3A_112 : i32
    %add3A = arith.constant 0 : i32
    %add3A_114 = arith.addi %mul3A_113, %add3A : i32
    %mul3A_115 = arith.constant 625 : i32
    %mul3A_116 = arith.muli %arg1, %mul3A_115 : i32
    %mul3A_117 = arith.constant 32 : i32
    %mul3A_118 = arith.muli %add3A_114, %mul3A_117 : i32
    %mul3A_119 = arith.constant 625 : i32
    %mul3A_120 = arith.muli %arg1, %mul3A_119 : i32
    "tpu.region"() ({
      %run_scoped3A = tpu.sem_alloc : memref<!tpu.dma_semaphore, #tpu.memory_space<semaphore_mem>>
      %dma_start3A_252 = arith.constant 0 : i32
      %dma_start3A_253 = tpu.memref_slice %arg8[%mul3A_120, %dma_start3A_252] : memref<10112x32xf32, #tpu.memory_space<vmem_shared>> -> memref<625x32xf32, #tpu.memory_space<vmem_shared>>
      %dma_start3A_254 = tpu.memref_slice %arg2[%mul3A_116, %mul3A_118] : memref<10000x128xf32, #tpu.memory_space<hbm>> -> memref<625x32xf32, #tpu.memory_space<hbm>>
      tpu.enqueue_dma source(%dma_start3A_254 : memref<625x32xf32, #tpu.memory_space<hbm>>) target(%dma_start3A_253 : memref<625x32xf32, #tpu.memory_space<vmem_shared>>) target_semaphore(%run_scoped3A : memref<!tpu.dma_semaphore, #tpu.memory_space<semaphore_mem>>)
      %dma_wait3A_255 = arith.constant 0 : i32
      %dma_wait3A_256 = tpu.memref_slice %arg8[%mul3A_120, %dma_wait3A_255] : memref<10112x32xf32, #tpu.memory_space<vmem_shared>> -> memref<625x32xf32, #tpu.memory_space<vmem_shared>>
      %dma_wait3A_257 = tpu.memref_slice %arg2[%mul3A_116, %mul3A_118] : memref<10000x128xf32, #tpu.memory_space<hbm>> -> memref<625x32xf32, #tpu.memory_space<hbm>>
      tpu.wait_dma2 semaphore(%run_scoped3A : memref<!tpu.dma_semaphore, #tpu.memory_space<semaphore_mem>>) src(%dma_wait3A_257 : memref<625x32xf32, #tpu.memory_space<hbm>>) dst(%dma_wait3A_256 : memref<625x32xf32, #tpu.memory_space<vmem_shared>>)
      tpu.yield
    }) : () -> ()
    %add3A_121 = arith.constant 0 : i32
    %add3A_122 = arith.addi %mul3A_0, %add3A_121 : i32
    "tpu.region"() ({
      %run_scoped3A = tpu.sem_alloc : memref<!tpu.dma_semaphore, #tpu.memory_space<semaphore_mem>>
      %dma_start3A_252 = arith.constant 0 : i32
      %dma_start3A_253 = tpu.memref_slice %arg23[%add3A_122, %dma_start3A_252] : memref<10112x32xf32, #tpu.memory_space<vmem_shared>> -> memref<128x32xf32, #tpu.memory_space<vmem_shared>>
      %dma_start3A_254 = arith.constant 0 : i32
      %dma_start3A_255 = tpu.memref_slice %arg23[%add3A_122, %dma_start3A_254] : memref<10112x32xf32, #tpu.memory_space<vmem_shared>> -> memref<128x32xf32, #tpu.memory_space<vmem_shared>>
      tpu.enqueue_dma source(%arg24 : memref<128x32xf32, #tpu.memory_space<vmem>>) target(%dma_start3A_255 : memref<128x32xf32, #tpu.memory_space<vmem_shared>>) target_semaphore(%run_scoped3A : memref<!tpu.dma_semaphore, #tpu.memory_space<semaphore_mem>>)
      %dma_wait3A_256 = arith.constant 0 : i32
      %dma_wait3A_257 = tpu.memref_slice %arg23[%add3A_122, %dma_wait3A_256] : memref<10112x32xf32, #tpu.memory_space<vmem_shared>> -> memref<128x32xf32, #tpu.memory_space<vmem_shared>>
      %dma_wait3A_258 = arith.constant 0 : i32
      %dma_wait3A_259 = tpu.memref_slice %arg23[%add3A_122, %dma_wait3A_258] : memref<10112x32xf32, #tpu.memory_space<vmem_shared>> -> memref<128x32xf32, #tpu.memory_space<vmem_shared>>
      tpu.wait_dma2 semaphore(%run_scoped3A : memref<!tpu.dma_semaphore, #tpu.memory_space<semaphore_mem>>) src(%arg24 : memref<128x32xf32, #tpu.memory_space<vmem>>) dst(%dma_wait3A_259 : memref<128x32xf32, #tpu.memory_space<vmem_shared>>)
      tpu.yield
    }) : () -> ()
    %add3A_123 = arith.constant 128 : i32
    %add3A_124 = arith.addi %mul3A_0, %add3A_123 : i32
    "tpu.region"() ({
      %run_scoped3A = tpu.sem_alloc : memref<!tpu.dma_semaphore, #tpu.memory_space<semaphore_mem>>
      %dma_start3A_252 = arith.constant 0 : i32
      %dma_start3A_253 = tpu.memref_slice %arg23[%add3A_124, %dma_start3A_252] : memref<10112x32xf32, #tpu.memory_space<vmem_shared>> -> memref<128x32xf32, #tpu.memory_space<vmem_shared>>
      %dma_start3A_254 = arith.constant 0 : i32
      %dma_start3A_255 = tpu.memref_slice %arg23[%add3A_124, %dma_start3A_254] : memref<10112x32xf32, #tpu.memory_space<vmem_shared>> -> memref<128x32xf32, #tpu.memory_space<vmem_shared>>
      tpu.enqueue_dma source(%arg24 : memref<128x32xf32, #tpu.memory_space<vmem>>) target(%dma_start3A_255 : memref<128x32xf32, #tpu.memory_space<vmem_shared>>) target_semaphore(%run_scoped3A : memref<!tpu.dma_semaphore, #tpu.memory_space<semaphore_mem>>)
      %dma_wait3A_256 = arith.constant 0 : i32
      %dma_wait3A_257 = tpu.memref_slice %arg23[%add3A_124, %dma_wait3A_256] : memref<10112x32xf32, #tpu.memory_space<vmem_shared>> -> memref<128x32xf32, #tpu.memory_space<vmem_shared>>
      %dma_wait3A_258 = arith.constant 0 : i32
      %dma_wait3A_259 = tpu.memref_slice %arg23[%add3A_124, %dma_wait3A_258] : memref<10112x32xf32, #tpu.memory_space<vmem_shared>> -> memref<128x32xf32, #tpu.memory_space<vmem_shared>>
      tpu.wait_dma2 semaphore(%run_scoped3A : memref<!tpu.dma_semaphore, #tpu.memory_space<semaphore_mem>>) src(%arg24 : memref<128x32xf32, #tpu.memory_space<vmem>>) dst(%dma_wait3A_259 : memref<128x32xf32, #tpu.memory_space<vmem_shared>>)
      tpu.yield
    }) : () -> ()
    %add3A_125 = arith.constant 256 : i32
    %add3A_126 = arith.addi %mul3A_0, %add3A_125 : i32
    "tpu.region"() ({
      %run_scoped3A = tpu.sem_alloc : memref<!tpu.dma_semaphore, #tpu.memory_space<semaphore_mem>>
      %dma_start3A_252 = arith.constant 0 : i32
      %dma_start3A_253 = tpu.memref_slice %arg23[%add3A_126, %dma_start3A_252] : memref<10112x32xf32, #tpu.memory_space<vmem_shared>> -> memref<128x32xf32, #tpu.memory_space<vmem_shared>>
      %dma_start3A_254 = arith.constant 0 : i32
      %dma_start3A_255 = tpu.memref_slice %arg23[%add3A_126, %dma_start3A_254] : memref<10112x32xf32, #tpu.memory_space<vmem_shared>> -> memref<128x32xf32, #tpu.memory_space<vmem_shared>>
      tpu.enqueue_dma source(%arg24 : memref<128x32xf32, #tpu.memory_space<vmem>>) target(%dma_start3A_255 : memref<128x32xf32, #tpu.memory_space<vmem_shared>>) target_semaphore(%run_scoped3A : memref<!tpu.dma_semaphore, #tpu.memory_space<semaphore_mem>>)
      %dma_wait3A_256 = arith.constant 0 : i32
      %dma_wait3A_257 = tpu.memref_slice %arg23[%add3A_126, %dma_wait3A_256] : memref<10112x32xf32, #tpu.memory_space<vmem_shared>> -> memref<128x32xf32, #tpu.memory_space<vmem_shared>>
      %dma_wait3A_258 = arith.constant 0 : i32
      %dma_wait3A_259 = tpu.memref_slice %arg23[%add3A_126, %dma_wait3A_258] : memref<10112x32xf32, #tpu.memory_space<vmem_shared>> -> memref<128x32xf32, #tpu.memory_space<vmem_shared>>
      tpu.wait_dma2 semaphore(%run_scoped3A : memref<!tpu.dma_semaphore, #tpu.memory_space<semaphore_mem>>) src(%arg24 : memref<128x32xf32, #tpu.memory_space<vmem>>) dst(%dma_wait3A_259 : memref<128x32xf32, #tpu.memory_space<vmem_shared>>)
      tpu.yield
    }) : () -> ()
    %add3A_127 = arith.constant 384 : i32
    %add3A_128 = arith.addi %mul3A_0, %add3A_127 : i32
    "tpu.region"() ({
      %run_scoped3A = tpu.sem_alloc : memref<!tpu.dma_semaphore, #tpu.memory_space<semaphore_mem>>
      %dma_start3A_252 = arith.constant 0 : i32
      %dma_start3A_253 = tpu.memref_slice %arg23[%add3A_128, %dma_start3A_252] : memref<10112x32xf32, #tpu.memory_space<vmem_shared>> -> memref<128x32xf32, #tpu.memory_space<vmem_shared>>
      %dma_start3A_254 = arith.constant 0 : i32
      %dma_start3A_255 = tpu.memref_slice %arg23[%add3A_128, %dma_start3A_254] : memref<10112x32xf32, #tpu.memory_space<vmem_shared>> -> memref<128x32xf32, #tpu.memory_space<vmem_shared>>
      tpu.enqueue_dma source(%arg24 : memref<128x32xf32, #tpu.memory_space<vmem>>) target(%dma_start3A_255 : memref<128x32xf32, #tpu.memory_space<vmem_shared>>) target_semaphore(%run_scoped3A : memref<!tpu.dma_semaphore, #tpu.memory_space<semaphore_mem>>)
      %dma_wait3A_256 = arith.constant 0 : i32
      %dma_wait3A_257 = tpu.memref_slice %arg23[%add3A_128, %dma_wait3A_256] : memref<10112x32xf32, #tpu.memory_space<vmem_shared>> -> memref<128x32xf32, #tpu.memory_space<vmem_shared>>
      %dma_wait3A_258 = arith.constant 0 : i32
      %dma_wait3A_259 = tpu.memref_slice %arg23[%add3A_128, %dma_wait3A_258] : memref<10112x32xf32, #tpu.memory_space<vmem_shared>> -> memref<128x32xf32, #tpu.memory_space<vmem_shared>>
      tpu.wait_dma2 semaphore(%run_scoped3A : memref<!tpu.dma_semaphore, #tpu.memory_space<semaphore_mem>>) src(%arg24 : memref<128x32xf32, #tpu.memory_space<vmem>>) dst(%dma_wait3A_259 : memref<128x32xf32, #tpu.memory_space<vmem_shared>>)
      tpu.yield
    }) : () -> ()
    %add3A_129 = arith.constant 512 : i32
    %add3A_130 = arith.addi %mul3A_0, %add3A_129 : i32
    "tpu.region"() ({
      %run_scoped3A = tpu.sem_alloc : memref<!tpu.dma_semaphore, #tpu.memory_space<semaphore_mem>>
      %dma_start3A_252 = arith.constant 0 : i32
      %dma_start3A_253 = arith.constant 0 : i32
      %dma_start3A_254 = tpu.memref_slice %arg24[%dma_start3A_252, %dma_start3A_253] : memref<128x32xf32, #tpu.memory_space<vmem>> -> memref<120x32xf32, #tpu.memory_space<vmem>>
      %dma_start3A_255 = arith.constant 0 : i32
      %dma_start3A_256 = tpu.memref_slice %arg23[%add3A_130, %dma_start3A_255] : memref<10112x32xf32, #tpu.memory_space<vmem_shared>> -> memref<120x32xf32, #tpu.memory_space<vmem_shared>>
      %dma_start3A_257 = arith.constant 0 : i32
      %dma_start3A_258 = tpu.memref_slice %arg23[%add3A_130, %dma_start3A_257] : memref<10112x32xf32, #tpu.memory_space<vmem_shared>> -> memref<120x32xf32, #tpu.memory_space<vmem_shared>>
      %dma_start3A_259 = arith.constant 0 : i32
      %dma_start3A_260 = arith.constant 0 : i32
      %dma_start3A_261 = tpu.memref_slice %arg24[%dma_start3A_259, %dma_start3A_260] : memref<128x32xf32, #tpu.memory_space<vmem>> -> memref<120x32xf32, #tpu.memory_space<vmem>>
      tpu.enqueue_dma source(%dma_start3A_261 : memref<120x32xf32, #tpu.memory_space<vmem>>) target(%dma_start3A_258 : memref<120x32xf32, #tpu.memory_space<vmem_shared>>) target_semaphore(%run_scoped3A : memref<!tpu.dma_semaphore, #tpu.memory_space<semaphore_mem>>)
      %dma_wait3A_262 = arith.constant 0 : i32
      %dma_wait3A_263 = arith.constant 0 : i32
      %dma_wait3A_264 = tpu.memref_slice %arg24[%dma_wait3A_262, %dma_wait3A_263] : memref<128x32xf32, #tpu.memory_space<vmem>> -> memref<120x32xf32, #tpu.memory_space<vmem>>
      %dma_wait3A_265 = arith.constant 0 : i32
      %dma_wait3A_266 = tpu.memref_slice %arg23[%add3A_130, %dma_wait3A_265] : memref<10112x32xf32, #tpu.memory_space<vmem_shared>> -> memref<120x32xf32, #tpu.memory_space<vmem_shared>>
      %dma_wait3A_267 = arith.constant 0 : i32
      %dma_wait3A_268 = tpu.memref_slice %arg23[%add3A_130, %dma_wait3A_267] : memref<10112x32xf32, #tpu.memory_space<vmem_shared>> -> memref<120x32xf32, #tpu.memory_space<vmem_shared>>
      %dma_wait3A_269 = arith.constant 0 : i32
      %dma_wait3A_270 = arith.constant 0 : i32
      %dma_wait3A_271 = tpu.memref_slice %arg24[%dma_wait3A_269, %dma_wait3A_270] : memref<128x32xf32, #tpu.memory_space<vmem>> -> memref<120x32xf32, #tpu.memory_space<vmem>>
      tpu.wait_dma2 semaphore(%run_scoped3A : memref<!tpu.dma_semaphore, #tpu.memory_space<semaphore_mem>>) src(%dma_wait3A_271 : memref<120x32xf32, #tpu.memory_space<vmem>>) dst(%dma_wait3A_268 : memref<120x32xf32, #tpu.memory_space<vmem_shared>>)
      tpu.yield
    }) : () -> ()
    %barrier3A = arith.constant 0 : index
    tpu.barrier barrier_id(%barrier3A)
    %dma_start3A = arith.constant 0 : i32
    %dma_start3A_131 = arith.constant 0 : i32
    %dma_start3A_132 = tpu.memref_slice %arg18[%dma_start3A, %dma_start3A_131] : memref<162x128xi32, #tpu.memory_space<vmem>> -> memref<1x128xi32, #tpu.memory_space<vmem>>
    %dma_start3A_133 = tpu.memref_squeeze %dma_start3A_132 : memref<1x128xi32, #tpu.memory_space<vmem>> -> memref<128xi32, #tpu.memory_space<vmem>>
    %dma_start3A_134 = arith.constant 0 : i32
    %dma_start3A_135 = arith.constant 0 : i32
    %dma_start3A_136 = tpu.memref_slice %arg8[%dma_start3A_134, %dma_start3A_135] : memref<10112x32xf32, #tpu.memory_space<vmem_shared>> -> memref<10112x32xf32, #tpu.memory_space<vmem_shared>>
    tpu.enqueue_indirect_dma source(%dma_start3A_136 : memref<10112x32xf32, #tpu.memory_space<vmem_shared>>) target(%arg14 : memref<128x32xf32, #tpu.memory_space<vmem>>) offsets(%dma_start3A_133 : memref<128xi32, #tpu.memory_space<vmem>>) semaphore(%arg9 : memref<!tpu.dma_semaphore, #tpu.memory_space<semaphore_mem>>)
    %dma_start3A_137 = arith.constant 1 : i32
    %dma_start3A_138 = arith.constant 0 : i32
    %dma_start3A_139 = tpu.memref_slice %arg18[%dma_start3A_137, %dma_start3A_138] : memref<162x128xi32, #tpu.memory_space<vmem>> -> memref<1x128xi32, #tpu.memory_space<vmem>>
    %dma_start3A_140 = tpu.memref_squeeze %dma_start3A_139 : memref<1x128xi32, #tpu.memory_space<vmem>> -> memref<128xi32, #tpu.memory_space<vmem>>
    %dma_start3A_141 = arith.constant 0 : i32
    %dma_start3A_142 = arith.constant 0 : i32
    %dma_start3A_143 = tpu.memref_slice %arg8[%dma_start3A_141, %dma_start3A_142] : memref<10112x32xf32, #tpu.memory_space<vmem_shared>> -> memref<10112x32xf32, #tpu.memory_space<vmem_shared>>
    tpu.enqueue_indirect_dma source(%dma_start3A_143 : memref<10112x32xf32, #tpu.memory_space<vmem_shared>>) target(%arg15 : memref<128x32xf32, #tpu.memory_space<vmem>>) offsets(%dma_start3A_140 : memref<128xi32, #tpu.memory_space<vmem>>) semaphore(%arg10 : memref<!tpu.dma_semaphore, #tpu.memory_space<semaphore_mem>>)
    %scan3A_144 = arith.constant 0 : i32
    %scan3A_145 = arith.constant 0 : i32
    %scan3A_146 = arith.constant 40 : i32
    %scan3A_147 = arith.addi %scan3A_145, %scan3A_146 : i32
    %scan3A_148 = arith.constant 1 : i32
    %scan3A_149 = scf.for %scan3A_252 = %scan3A_145 to %scan3A_147 step %scan3A_148 iter_args(%scan3A_253 = %scan3A_144) -> (i32)  : i32 {
      %mul3A_254 = arith.constant 4 : i32
      %mul3A_255 = arith.muli %mul3A_254, %scan3A_252 : i32
      %add3A_256 = arith.constant 0 : i32
      %add3A_257 = arith.addi %mul3A_255, %add3A_256 : i32
      %dma_wait3A_258 = arith.constant 0 : i32
      %dma_wait3A_259 = tpu.memref_slice %arg18[%add3A_257, %dma_wait3A_258] : memref<162x128xi32, #tpu.memory_space<vmem>> -> memref<1x128xi32, #tpu.memory_space<vmem>>
      %dma_wait3A_260 = tpu.memref_squeeze %dma_wait3A_259 : memref<1x128xi32, #tpu.memory_space<vmem>> -> memref<128xi32, #tpu.memory_space<vmem>>
      %dma_wait3A_261 = arith.constant 0 : i32
      %dma_wait3A_262 = arith.constant 0 : i32
      %dma_wait3A_263 = tpu.memref_slice %arg8[%dma_wait3A_261, %dma_wait3A_262] : memref<10112x32xf32, #tpu.memory_space<vmem_shared>> -> memref<10112x32xf32, #tpu.memory_space<vmem_shared>>
      tpu.wait_indirect_dma semaphore(%arg9 : memref<!tpu.dma_semaphore, #tpu.memory_space<semaphore_mem>>) src(%dma_wait3A_263 : memref<10112x32xf32, #tpu.memory_space<vmem_shared>>) dst(%arg14 : memref<128x32xf32, #tpu.memory_space<vmem>>)
      %dma_start3A_264 = arith.constant 0 : i32
      %dma_start3A_265 = tpu.memref_slice %arg7[%add3A_257, %dma_start3A_264] : memref<160x128xi32, #tpu.memory_space<vmem>> -> memref<1x128xi32, #tpu.memory_space<vmem>>
      %dma_start3A_266 = tpu.memref_squeeze %dma_start3A_265 : memref<1x128xi32, #tpu.memory_space<vmem>> -> memref<128xi32, #tpu.memory_space<vmem>>
      %dma_start3A_267 = arith.constant 0 : i32
      %dma_start3A_268 = arith.constant 0 : i32
      %dma_start3A_269 = tpu.memref_slice %arg23[%dma_start3A_267, %dma_start3A_268] : memref<10112x32xf32, #tpu.memory_space<vmem_shared>> -> memref<10112x32xf32, #tpu.memory_space<vmem_shared>>
      tpu.enqueue_indirect_dma source(%arg14 : memref<128x32xf32, #tpu.memory_space<vmem>>) target(%dma_start3A_269 : memref<10112x32xf32, #tpu.memory_space<vmem_shared>>) offsets(%dma_start3A_266 : memref<128xi32, #tpu.memory_space<vmem>>) semaphore(%arg19 : memref<!tpu.dma_semaphore, #tpu.memory_space<semaphore_mem>>) {add = true}
      %get3A = arith.index_cast %add3A_257 : i32 to index
      %get3A_270 = arith.constant 0 : index
      %get3A_271 = tpu.vector_load %arg7[%get3A, %get3A_270] {strides = array<i32>} : memref<160x128xi32, #tpu.memory_space<vmem>>, vector<16xi32>,
      tpu.vector_store_idx %arg13[%get3A_271], %broadcast_in_dim3A_3 {add = true} : memref<10112xf32, #tpu.memory_space<vmem>>[vector<16xi32>], vector<16xf32>,
      %get3A_272 = arith.index_cast %add3A_257 : i32 to index
      %get3A_273 = arith.constant 16 : index
      %get3A_274 = tpu.vector_load %arg7[%get3A_272, %get3A_273] {strides = array<i32>} : memref<160x128xi32, #tpu.memory_space<vmem>>, vector<16xi32>,
      tpu.vector_store_idx %arg13[%get3A_274], %broadcast_in_dim3A_3 {add = true} : memref<10112xf32, #tpu.memory_space<vmem>>[vector<16xi32>], vector<16xf32>,
      %get3A_275 = arith.index_cast %add3A_257 : i32 to index
      %get3A_276 = arith.constant 32 : index
      %get3A_277 = tpu.vector_load %arg7[%get3A_275, %get3A_276] {strides = array<i32>} : memref<160x128xi32, #tpu.memory_space<vmem>>, vector<16xi32>,
      tpu.vector_store_idx %arg13[%get3A_277], %broadcast_in_dim3A_3 {add = true} : memref<10112xf32, #tpu.memory_space<vmem>>[vector<16xi32>], vector<16xf32>,
      %get3A_278 = arith.index_cast %add3A_257 : i32 to index
      %get3A_279 = arith.constant 48 : index
      %get3A_280 = tpu.vector_load %arg7[%get3A_278, %get3A_279] {strides = array<i32>} : memref<160x128xi32, #tpu.memory_space<vmem>>, vector<16xi32>,
      tpu.vector_store_idx %arg13[%get3A_280], %broadcast_in_dim3A_3 {add = true} : memref<10112xf32, #tpu.memory_space<vmem>>[vector<16xi32>], vector<16xf32>,
      %get3A_281 = arith.index_cast %add3A_257 : i32 to index
      %get3A_282 = arith.constant 64 : index
      %get3A_283 = tpu.vector_load %arg7[%get3A_281, %get3A_282] {strides = array<i32>} : memref<160x128xi32, #tpu.memory_space<vmem>>, vector<16xi32>,
      tpu.vector_store_idx %arg13[%get3A_283], %broadcast_in_dim3A_3 {add = true} : memref<10112xf32, #tpu.memory_space<vmem>>[vector<16xi32>], vector<16xf32>,
      %get3A_284 = arith.index_cast %add3A_257 : i32 to index
      %get3A_285 = arith.constant 80 : index
      %get3A_286 = tpu.vector_load %arg7[%get3A_284, %get3A_285] {strides = array<i32>} : memref<160x128xi32, #tpu.memory_space<vmem>>, vector<16xi32>,
      tpu.vector_store_idx %arg13[%get3A_286], %broadcast_in_dim3A_3 {add = true} : memref<10112xf32, #tpu.memory_space<vmem>>[vector<16xi32>], vector<16xf32>,
      %get3A_287 = arith.index_cast %add3A_257 : i32 to index
      %get3A_288 = arith.constant 96 : index
      %get3A_289 = tpu.vector_load %arg7[%get3A_287, %get3A_288] {strides = array<i32>} : memref<160x128xi32, #tpu.memory_space<vmem>>, vector<16xi32>,
      tpu.vector_store_idx %arg13[%get3A_289], %broadcast_in_dim3A_3 {add = true} : memref<10112xf32, #tpu.memory_space<vmem>>[vector<16xi32>], vector<16xf32>,
      %get3A_290 = arith.index_cast %add3A_257 : i32 to index
      %get3A_291 = arith.constant 112 : index
      %get3A_292 = tpu.vector_load %arg7[%get3A_290, %get3A_291] {strides = array<i32>} : memref<160x128xi32, #tpu.memory_space<vmem>>, vector<16xi32>,
      tpu.vector_store_idx %arg13[%get3A_292], %broadcast_in_dim3A_3 {add = true} : memref<10112xf32, #tpu.memory_space<vmem>>[vector<16xi32>], vector<16xf32>,
      %gt3A = arith.constant 0 : i32
      %gt3A_293 = arith.cmpi sgt, %scan3A_252, %gt3A : i32
      %convert_element_type3A_294 = arith.extui %gt3A_293 : i1 to i32
      %cond3A_295 = arith.constant 0 : i32
      %cond3A_296 = arith.cmpi ne, %convert_element_type3A_294, %cond3A_295 : i32
      scf.if %cond3A_296 {
        %dma_wait3A_461 = arith.constant 0 : i32
        %dma_wait3A_462 = tpu.memref_slice %arg7[%add3A_257, %dma_wait3A_461] : memref<160x128xi32, #tpu.memory_space<vmem>> -> memref<1x128xi32, #tpu.memory_space<vmem>>
        %dma_wait3A_463 = tpu.memref_squeeze %dma_wait3A_462 : memref<1x128xi32, #tpu.memory_space<vmem>> -> memref<128xi32, #tpu.memory_space<vmem>>
        %dma_wait3A_464 = arith.constant 0 : i32
        %dma_wait3A_465 = arith.constant 0 : i32
        %dma_wait3A_466 = tpu.memref_slice %arg23[%dma_wait3A_464, %dma_wait3A_465] : memref<10112x32xf32, #tpu.memory_space<vmem_shared>> -> memref<10112x32xf32, #tpu.memory_space<vmem_shared>>
        tpu.wait_indirect_dma semaphore(%arg21 : memref<!tpu.dma_semaphore, #tpu.memory_space<semaphore_mem>>) src(%arg16 : memref<128x32xf32, #tpu.memory_space<vmem>>) dst(%dma_wait3A_466 : memref<10112x32xf32, #tpu.memory_space<vmem_shared>>)
        %add3A_467 = arith.constant 2 : i32
        %add3A_468 = arith.addi %add3A_257, %add3A_467 : i32
        %dma_start3A_469 = arith.constant 0 : i32
        %dma_start3A_470 = tpu.memref_slice %arg18[%add3A_468, %dma_start3A_469] : memref<162x128xi32, #tpu.memory_space<vmem>> -> memref<1x128xi32, #tpu.memory_space<vmem>>
        %dma_start3A_471 = tpu.memref_squeeze %dma_start3A_470 : memref<1x128xi32, #tpu.memory_space<vmem>> -> memref<128xi32, #tpu.memory_space<vmem>>
        %dma_start3A_472 = arith.constant 0 : i32
        %dma_start3A_473 = arith.constant 0 : i32
        %dma_start3A_474 = tpu.memref_slice %arg8[%dma_start3A_472, %dma_start3A_473] : memref<10112x32xf32, #tpu.memory_space<vmem_shared>> -> memref<10112x32xf32, #tpu.memory_space<vmem_shared>>
        tpu.enqueue_indirect_dma source(%dma_start3A_474 : memref<10112x32xf32, #tpu.memory_space<vmem_shared>>) target(%arg16 : memref<128x32xf32, #tpu.memory_space<vmem>>) offsets(%dma_start3A_471 : memref<128xi32, #tpu.memory_space<vmem>>) semaphore(%arg11 : memref<!tpu.dma_semaphore, #tpu.memory_space<semaphore_mem>>)
      } else {
      }
      %eq3A_297 = arith.constant 0 : i32
      %eq3A_298 = arith.cmpi eq, %scan3A_252, %eq3A_297 : i32
      %convert_element_type3A_299 = arith.extui %eq3A_298 : i1 to i32
      %cond3A_300 = arith.constant 0 : i32
      %cond3A_301 = arith.cmpi ne, %convert_element_type3A_299, %cond3A_300 : i32
      scf.if %cond3A_301 {
        %add3A_461 = arith.constant 2 : i32
        %add3A_462 = arith.addi %add3A_257, %add3A_461 : i32
        %dma_start3A_463 = arith.constant 0 : i32
        %dma_start3A_464 = tpu.memref_slice %arg18[%add3A_462, %dma_start3A_463] : memref<162x128xi32, #tpu.memory_space<vmem>> -> memref<1x128xi32, #tpu.memory_space<vmem>>
        %dma_start3A_465 = tpu.memref_squeeze %dma_start3A_464 : memref<1x128xi32, #tpu.memory_space<vmem>> -> memref<128xi32, #tpu.memory_space<vmem>>
        %dma_start3A_466 = arith.constant 0 : i32
        %dma_start3A_467 = arith.constant 0 : i32
        %dma_start3A_468 = tpu.memref_slice %arg8[%dma_start3A_466, %dma_start3A_467] : memref<10112x32xf32, #tpu.memory_space<vmem_shared>> -> memref<10112x32xf32, #tpu.memory_space<vmem_shared>>
        tpu.enqueue_indirect_dma source(%dma_start3A_468 : memref<10112x32xf32, #tpu.memory_space<vmem_shared>>) target(%arg16 : memref<128x32xf32, #tpu.memory_space<vmem>>) offsets(%dma_start3A_465 : memref<128xi32, #tpu.memory_space<vmem>>) semaphore(%arg11 : memref<!tpu.dma_semaphore, #tpu.memory_space<semaphore_mem>>)
      } else {
      }
      %mul3A_302 = arith.constant 4 : i32
      %mul3A_303 = arith.muli %mul3A_302, %scan3A_252 : i32
      %add3A_304 = arith.constant 1 : i32
      %add3A_305 = arith.addi %mul3A_303, %add3A_304 : i32
      %dma_wait3A_306 = arith.constant 0 : i32
      %dma_wait3A_307 = tpu.memref_slice %arg18[%add3A_305, %dma_wait3A_306] : memref<162x128xi32, #tpu.memory_space<vmem>> -> memref<1x128xi32, #tpu.memory_space<vmem>>
      %dma_wait3A_308 = tpu.memref_squeeze %dma_wait3A_307 : memref<1x128xi32, #tpu.memory_space<vmem>> -> memref<128xi32, #tpu.memory_space<vmem>>
      %dma_wait3A_309 = arith.constant 0 : i32
      %dma_wait3A_310 = arith.constant 0 : i32
      %dma_wait3A_311 = tpu.memref_slice %arg8[%dma_wait3A_309, %dma_wait3A_310] : memref<10112x32xf32, #tpu.memory_space<vmem_shared>> -> memref<10112x32xf32, #tpu.memory_space<vmem_shared>>
      tpu.wait_indirect_dma semaphore(%arg10 : memref<!tpu.dma_semaphore, #tpu.memory_space<semaphore_mem>>) src(%dma_wait3A_311 : memref<10112x32xf32, #tpu.memory_space<vmem_shared>>) dst(%arg15 : memref<128x32xf32, #tpu.memory_space<vmem>>)
      %dma_start3A_312 = arith.constant 0 : i32
      %dma_start3A_313 = tpu.memref_slice %arg7[%add3A_305, %dma_start3A_312] : memref<160x128xi32, #tpu.memory_space<vmem>> -> memref<1x128xi32, #tpu.memory_space<vmem>>
      %dma_start3A_314 = tpu.memref_squeeze %dma_start3A_313 : memref<1x128xi32, #tpu.memory_space<vmem>> -> memref<128xi32, #tpu.memory_space<vmem>>
      %dma_start3A_315 = arith.constant 0 : i32
      %dma_start3A_316 = arith.constant 0 : i32
      %dma_start3A_317 = tpu.memref_slice %arg23[%dma_start3A_315, %dma_start3A_316] : memref<10112x32xf32, #tpu.memory_space<vmem_shared>> -> memref<10112x32xf32, #tpu.memory_space<vmem_shared>>
      tpu.enqueue_indirect_dma source(%arg15 : memref<128x32xf32, #tpu.memory_space<vmem>>) target(%dma_start3A_317 : memref<10112x32xf32, #tpu.memory_space<vmem_shared>>) offsets(%dma_start3A_314 : memref<128xi32, #tpu.memory_space<vmem>>) semaphore(%arg20 : memref<!tpu.dma_semaphore, #tpu.memory_space<semaphore_mem>>) {add = true}
      %get3A_318 = arith.index_cast %add3A_305 : i32 to index
      %get3A_319 = arith.constant 0 : index
      %get3A_320 = tpu.vector_load %arg7[%get3A_318, %get3A_319] {strides = array<i32>} : memref<160x128xi32, #tpu.memory_space<vmem>>, vector<16xi32>,
      tpu.vector_store_idx %arg13[%get3A_320], %broadcast_in_dim3A_3 {add = true} : memref<10112xf32, #tpu.memory_space<vmem>>[vector<16xi32>], vector<16xf32>,
      %get3A_321 = arith.index_cast %add3A_305 : i32 to index
      %get3A_322 = arith.constant 16 : index
      %get3A_323 = tpu.vector_load %arg7[%get3A_321, %get3A_322] {strides = array<i32>} : memref<160x128xi32, #tpu.memory_space<vmem>>, vector<16xi32>,
      tpu.vector_store_idx %arg13[%get3A_323], %broadcast_in_dim3A_3 {add = true} : memref<10112xf32, #tpu.memory_space<vmem>>[vector<16xi32>], vector<16xf32>,
      %get3A_324 = arith.index_cast %add3A_305 : i32 to index
      %get3A_325 = arith.constant 32 : index
      %get3A_326 = tpu.vector_load %arg7[%get3A_324, %get3A_325] {strides = array<i32>} : memref<160x128xi32, #tpu.memory_space<vmem>>, vector<16xi32>,
      tpu.vector_store_idx %arg13[%get3A_326], %broadcast_in_dim3A_3 {add = true} : memref<10112xf32, #tpu.memory_space<vmem>>[vector<16xi32>], vector<16xf32>,
      %get3A_327 = arith.index_cast %add3A_305 : i32 to index
      %get3A_328 = arith.constant 48 : index
      %get3A_329 = tpu.vector_load %arg7[%get3A_327, %get3A_328] {strides = array<i32>} : memref<160x128xi32, #tpu.memory_space<vmem>>, vector<16xi32>,
      tpu.vector_store_idx %arg13[%get3A_329], %broadcast_in_dim3A_3 {add = true} : memref<10112xf32, #tpu.memory_space<vmem>>[vector<16xi32>], vector<16xf32>,
      %get3A_330 = arith.index_cast %add3A_305 : i32 to index
      %get3A_331 = arith.constant 64 : index
      %get3A_332 = tpu.vector_load %arg7[%get3A_330, %get3A_331] {strides = array<i32>} : memref<160x128xi32, #tpu.memory_space<vmem>>, vector<16xi32>,
      tpu.vector_store_idx %arg13[%get3A_332], %broadcast_in_dim3A_3 {add = true} : memref<10112xf32, #tpu.memory_space<vmem>>[vector<16xi32>], vector<16xf32>,
      %get3A_333 = arith.index_cast %add3A_305 : i32 to index
      %get3A_334 = arith.constant 80 : index
      %get3A_335 = tpu.vector_load %arg7[%get3A_333, %get3A_334] {strides = array<i32>} : memref<160x128xi32, #tpu.memory_space<vmem>>, vector<16xi32>,
      tpu.vector_store_idx %arg13[%get3A_335], %broadcast_in_dim3A_3 {add = true} : memref<10112xf32, #tpu.memory_space<vmem>>[vector<16xi32>], vector<16xf32>,
      %get3A_336 = arith.index_cast %add3A_305 : i32 to index
      %get3A_337 = arith.constant 96 : index
      %get3A_338 = tpu.vector_load %arg7[%get3A_336, %get3A_337] {strides = array<i32>} : memref<160x128xi32, #tpu.memory_space<vmem>>, vector<16xi32>,
      tpu.vector_store_idx %arg13[%get3A_338], %broadcast_in_dim3A_3 {add = true} : memref<10112xf32, #tpu.memory_space<vmem>>[vector<16xi32>], vector<16xf32>,
      %get3A_339 = arith.index_cast %add3A_305 : i32 to index
      %get3A_340 = arith.constant 112 : index
      %get3A_341 = tpu.vector_load %arg7[%get3A_339, %get3A_340] {strides = array<i32>} : memref<160x128xi32, #tpu.memory_space<vmem>>, vector<16xi32>,
      tpu.vector_store_idx %arg13[%get3A_341], %broadcast_in_dim3A_3 {add = true} : memref<10112xf32, #tpu.memory_space<vmem>>[vector<16xi32>], vector<16xf32>,
      %gt3A_342 = arith.constant 0 : i32
      %gt3A_343 = arith.cmpi sgt, %scan3A_252, %gt3A_342 : i32
      %convert_element_type3A_344 = arith.extui %gt3A_343 : i1 to i32
      %cond3A_345 = arith.constant 0 : i32
      %cond3A_346 = arith.cmpi ne, %convert_element_type3A_344, %cond3A_345 : i32
      scf.if %cond3A_346 {
        %dma_wait3A_461 = arith.constant 0 : i32
        %dma_wait3A_462 = tpu.memref_slice %arg7[%add3A_305, %dma_wait3A_461] : memref<160x128xi32, #tpu.memory_space<vmem>> -> memref<1x128xi32, #tpu.memory_space<vmem>>
        %dma_wait3A_463 = tpu.memref_squeeze %dma_wait3A_462 : memref<1x128xi32, #tpu.memory_space<vmem>> -> memref<128xi32, #tpu.memory_space<vmem>>
        %dma_wait3A_464 = arith.constant 0 : i32
        %dma_wait3A_465 = arith.constant 0 : i32
        %dma_wait3A_466 = tpu.memref_slice %arg23[%dma_wait3A_464, %dma_wait3A_465] : memref<10112x32xf32, #tpu.memory_space<vmem_shared>> -> memref<10112x32xf32, #tpu.memory_space<vmem_shared>>
        tpu.wait_indirect_dma semaphore(%arg22 : memref<!tpu.dma_semaphore, #tpu.memory_space<semaphore_mem>>) src(%arg17 : memref<128x32xf32, #tpu.memory_space<vmem>>) dst(%dma_wait3A_466 : memref<10112x32xf32, #tpu.memory_space<vmem_shared>>)
        %add3A_467 = arith.constant 2 : i32
        %add3A_468 = arith.addi %add3A_305, %add3A_467 : i32
        %dma_start3A_469 = arith.constant 0 : i32
        %dma_start3A_470 = tpu.memref_slice %arg18[%add3A_468, %dma_start3A_469] : memref<162x128xi32, #tpu.memory_space<vmem>> -> memref<1x128xi32, #tpu.memory_space<vmem>>
        %dma_start3A_471 = tpu.memref_squeeze %dma_start3A_470 : memref<1x128xi32, #tpu.memory_space<vmem>> -> memref<128xi32, #tpu.memory_space<vmem>>
        %dma_start3A_472 = arith.constant 0 : i32
        %dma_start3A_473 = arith.constant 0 : i32
        %dma_start3A_474 = tpu.memref_slice %arg8[%dma_start3A_472, %dma_start3A_473] : memref<10112x32xf32, #tpu.memory_space<vmem_shared>> -> memref<10112x32xf32, #tpu.memory_space<vmem_shared>>
        tpu.enqueue_indirect_dma source(%dma_start3A_474 : memref<10112x32xf32, #tpu.memory_space<vmem_shared>>) target(%arg17 : memref<128x32xf32, #tpu.memory_space<vmem>>) offsets(%dma_start3A_471 : memref<128xi32, #tpu.memory_space<vmem>>) semaphore(%arg12 : memref<!tpu.dma_semaphore, #tpu.memory_space<semaphore_mem>>)
      } else {
      }
      %eq3A_347 = arith.constant 0 : i32
      %eq3A_348 = arith.cmpi eq, %scan3A_252, %eq3A_347 : i32
      %convert_element_type3A_349 = arith.extui %eq3A_348 : i1 to i32
      %cond3A_350 = arith.constant 0 : i32
      %cond3A_351 = arith.cmpi ne, %convert_element_type3A_349, %cond3A_350 : i32
      scf.if %cond3A_351 {
        %add3A_461 = arith.constant 2 : i32
        %add3A_462 = arith.addi %add3A_305, %add3A_461 : i32
        %dma_start3A_463 = arith.constant 0 : i32
        %dma_start3A_464 = tpu.memref_slice %arg18[%add3A_462, %dma_start3A_463] : memref<162x128xi32, #tpu.memory_space<vmem>> -> memref<1x128xi32, #tpu.memory_space<vmem>>
        %dma_start3A_465 = tpu.memref_squeeze %dma_start3A_464 : memref<1x128xi32, #tpu.memory_space<vmem>> -> memref<128xi32, #tpu.memory_space<vmem>>
        %dma_start3A_466 = arith.constant 0 : i32
        %dma_start3A_467 = arith.constant 0 : i32
        %dma_start3A_468 = tpu.memref_slice %arg8[%dma_start3A_466, %dma_start3A_467] : memref<10112x32xf32, #tpu.memory_space<vmem_shared>> -> memref<10112x32xf32, #tpu.memory_space<vmem_shared>>
        tpu.enqueue_indirect_dma source(%dma_start3A_468 : memref<10112x32xf32, #tpu.memory_space<vmem_shared>>) target(%arg17 : memref<128x32xf32, #tpu.memory_space<vmem>>) offsets(%dma_start3A_465 : memref<128xi32, #tpu.memory_space<vmem>>) semaphore(%arg12 : memref<!tpu.dma_semaphore, #tpu.memory_space<semaphore_mem>>)
      } else {
      }
      %mul3A_352 = arith.constant 4 : i32
      %mul3A_353 = arith.muli %mul3A_352, %scan3A_252 : i32
      %add3A_354 = arith.constant 2 : i32
      %add3A_355 = arith.addi %mul3A_353, %add3A_354 : i32
      %dma_wait3A_356 = arith.constant 0 : i32
      %dma_wait3A_357 = tpu.memref_slice %arg18[%add3A_355, %dma_wait3A_356] : memref<162x128xi32, #tpu.memory_space<vmem>> -> memref<1x128xi32, #tpu.memory_space<vmem>>
      %dma_wait3A_358 = tpu.memref_squeeze %dma_wait3A_357 : memref<1x128xi32, #tpu.memory_space<vmem>> -> memref<128xi32, #tpu.memory_space<vmem>>
      %dma_wait3A_359 = arith.constant 0 : i32
      %dma_wait3A_360 = arith.constant 0 : i32
      %dma_wait3A_361 = tpu.memref_slice %arg8[%dma_wait3A_359, %dma_wait3A_360] : memref<10112x32xf32, #tpu.memory_space<vmem_shared>> -> memref<10112x32xf32, #tpu.memory_space<vmem_shared>>
      tpu.wait_indirect_dma semaphore(%arg11 : memref<!tpu.dma_semaphore, #tpu.memory_space<semaphore_mem>>) src(%dma_wait3A_361 : memref<10112x32xf32, #tpu.memory_space<vmem_shared>>) dst(%arg16 : memref<128x32xf32, #tpu.memory_space<vmem>>)
      %dma_start3A_362 = arith.constant 0 : i32
      %dma_start3A_363 = tpu.memref_slice %arg7[%add3A_355, %dma_start3A_362] : memref<160x128xi32, #tpu.memory_space<vmem>> -> memref<1x128xi32, #tpu.memory_space<vmem>>
      %dma_start3A_364 = tpu.memref_squeeze %dma_start3A_363 : memref<1x128xi32, #tpu.memory_space<vmem>> -> memref<128xi32, #tpu.memory_space<vmem>>
      %dma_start3A_365 = arith.constant 0 : i32
      %dma_start3A_366 = arith.constant 0 : i32
      %dma_start3A_367 = tpu.memref_slice %arg23[%dma_start3A_365, %dma_start3A_366] : memref<10112x32xf32, #tpu.memory_space<vmem_shared>> -> memref<10112x32xf32, #tpu.memory_space<vmem_shared>>
      tpu.enqueue_indirect_dma source(%arg16 : memref<128x32xf32, #tpu.memory_space<vmem>>) target(%dma_start3A_367 : memref<10112x32xf32, #tpu.memory_space<vmem_shared>>) offsets(%dma_start3A_364 : memref<128xi32, #tpu.memory_space<vmem>>) semaphore(%arg21 : memref<!tpu.dma_semaphore, #tpu.memory_space<semaphore_mem>>) {add = true}
      %get3A_368 = arith.index_cast %add3A_355 : i32 to index
      %get3A_369 = arith.constant 0 : index
      %get3A_370 = tpu.vector_load %arg7[%get3A_368, %get3A_369] {strides = array<i32>} : memref<160x128xi32, #tpu.memory_space<vmem>>, vector<16xi32>,
      tpu.vector_store_idx %arg13[%get3A_370], %broadcast_in_dim3A_3 {add = true} : memref<10112xf32, #tpu.memory_space<vmem>>[vector<16xi32>], vector<16xf32>,
      %get3A_371 = arith.index_cast %add3A_355 : i32 to index
      %get3A_372 = arith.constant 16 : index
      %get3A_373 = tpu.vector_load %arg7[%get3A_371, %get3A_372] {strides = array<i32>} : memref<160x128xi32, #tpu.memory_space<vmem>>, vector<16xi32>,
      tpu.vector_store_idx %arg13[%get3A_373], %broadcast_in_dim3A_3 {add = true} : memref<10112xf32, #tpu.memory_space<vmem>>[vector<16xi32>], vector<16xf32>,
      %get3A_374 = arith.index_cast %add3A_355 : i32 to index
      %get3A_375 = arith.constant 32 : index
      %get3A_376 = tpu.vector_load %arg7[%get3A_374, %get3A_375] {strides = array<i32>} : memref<160x128xi32, #tpu.memory_space<vmem>>, vector<16xi32>,
      tpu.vector_store_idx %arg13[%get3A_376], %broadcast_in_dim3A_3 {add = true} : memref<10112xf32, #tpu.memory_space<vmem>>[vector<16xi32>], vector<16xf32>,
      %get3A_377 = arith.index_cast %add3A_355 : i32 to index
      %get3A_378 = arith.constant 48 : index
      %get3A_379 = tpu.vector_load %arg7[%get3A_377, %get3A_378] {strides = array<i32>} : memref<160x128xi32, #tpu.memory_space<vmem>>, vector<16xi32>,
      tpu.vector_store_idx %arg13[%get3A_379], %broadcast_in_dim3A_3 {add = true} : memref<10112xf32, #tpu.memory_space<vmem>>[vector<16xi32>], vector<16xf32>,
      %get3A_380 = arith.index_cast %add3A_355 : i32 to index
      %get3A_381 = arith.constant 64 : index
      %get3A_382 = tpu.vector_load %arg7[%get3A_380, %get3A_381] {strides = array<i32>} : memref<160x128xi32, #tpu.memory_space<vmem>>, vector<16xi32>,
      tpu.vector_store_idx %arg13[%get3A_382], %broadcast_in_dim3A_3 {add = true} : memref<10112xf32, #tpu.memory_space<vmem>>[vector<16xi32>], vector<16xf32>,
      %get3A_383 = arith.index_cast %add3A_355 : i32 to index
      %get3A_384 = arith.constant 80 : index
      %get3A_385 = tpu.vector_load %arg7[%get3A_383, %get3A_384] {strides = array<i32>} : memref<160x128xi32, #tpu.memory_space<vmem>>, vector<16xi32>,
      tpu.vector_store_idx %arg13[%get3A_385], %broadcast_in_dim3A_3 {add = true} : memref<10112xf32, #tpu.memory_space<vmem>>[vector<16xi32>], vector<16xf32>,
      %get3A_386 = arith.index_cast %add3A_355 : i32 to index
      %get3A_387 = arith.constant 96 : index
      %get3A_388 = tpu.vector_load %arg7[%get3A_386, %get3A_387] {strides = array<i32>} : memref<160x128xi32, #tpu.memory_space<vmem>>, vector<16xi32>,
      tpu.vector_store_idx %arg13[%get3A_388], %broadcast_in_dim3A_3 {add = true} : memref<10112xf32, #tpu.memory_space<vmem>>[vector<16xi32>], vector<16xf32>,
      %get3A_389 = arith.index_cast %add3A_355 : i32 to index
      %get3A_390 = arith.constant 112 : index
      %get3A_391 = tpu.vector_load %arg7[%get3A_389, %get3A_390] {strides = array<i32>} : memref<160x128xi32, #tpu.memory_space<vmem>>, vector<16xi32>,
      tpu.vector_store_idx %arg13[%get3A_391], %broadcast_in_dim3A_3 {add = true} : memref<10112xf32, #tpu.memory_space<vmem>>[vector<16xi32>], vector<16xf32>,
      %dma_wait3A_392 = arith.constant 0 : i32
      %dma_wait3A_393 = tpu.memref_slice %arg7[%add3A_355, %dma_wait3A_392] : memref<160x128xi32, #tpu.memory_space<vmem>> -> memref<1x128xi32, #tpu.memory_space<vmem>>
      %dma_wait3A_394 = tpu.memref_squeeze %dma_wait3A_393 : memref<1x128xi32, #tpu.memory_space<vmem>> -> memref<128xi32, #tpu.memory_space<vmem>>
      %dma_wait3A_395 = arith.constant 0 : i32
      %dma_wait3A_396 = arith.constant 0 : i32
      %dma_wait3A_397 = tpu.memref_slice %arg23[%dma_wait3A_395, %dma_wait3A_396] : memref<10112x32xf32, #tpu.memory_space<vmem_shared>> -> memref<10112x32xf32, #tpu.memory_space<vmem_shared>>
      tpu.wait_indirect_dma semaphore(%arg19 : memref<!tpu.dma_semaphore, #tpu.memory_space<semaphore_mem>>) src(%arg14 : memref<128x32xf32, #tpu.memory_space<vmem>>) dst(%dma_wait3A_397 : memref<10112x32xf32, #tpu.memory_space<vmem_shared>>)
      %add3A_398 = arith.constant 2 : i32
      %add3A_399 = arith.addi %add3A_355, %add3A_398 : i32
      %dma_start3A_400 = arith.constant 0 : i32
      %dma_start3A_401 = tpu.memref_slice %arg18[%add3A_399, %dma_start3A_400] : memref<162x128xi32, #tpu.memory_space<vmem>> -> memref<1x128xi32, #tpu.memory_space<vmem>>
      %dma_start3A_402 = tpu.memref_squeeze %dma_start3A_401 : memref<1x128xi32, #tpu.memory_space<vmem>> -> memref<128xi32, #tpu.memory_space<vmem>>
      %dma_start3A_403 = arith.constant 0 : i32
      %dma_start3A_404 = arith.constant 0 : i32
      %dma_start3A_405 = tpu.memref_slice %arg8[%dma_start3A_403, %dma_start3A_404] : memref<10112x32xf32, #tpu.memory_space<vmem_shared>> -> memref<10112x32xf32, #tpu.memory_space<vmem_shared>>
      tpu.enqueue_indirect_dma source(%dma_start3A_405 : memref<10112x32xf32, #tpu.memory_space<vmem_shared>>) target(%arg14 : memref<128x32xf32, #tpu.memory_space<vmem>>) offsets(%dma_start3A_402 : memref<128xi32, #tpu.memory_space<vmem>>) semaphore(%arg9 : memref<!tpu.dma_semaphore, #tpu.memory_space<semaphore_mem>>)
      %mul3A_406 = arith.constant 4 : i32
      %mul3A_407 = arith.muli %mul3A_406, %scan3A_252 : i32
      %add3A_408 = arith.constant 3 : i32
      %add3A_409 = arith.addi %mul3A_407, %add3A_408 : i32
      %dma_wait3A_410 = arith.constant 0 : i32
      %dma_wait3A_411 = tpu.memref_slice %arg18[%add3A_409, %dma_wait3A_410] : memref<162x128xi32, #tpu.memory_space<vmem>> -> memref<1x128xi32, #tpu.memory_space<vmem>>
      %dma_wait3A_412 = tpu.memref_squeeze %dma_wait3A_411 : memref<1x128xi32, #tpu.memory_space<vmem>> -> memref<128xi32, #tpu.memory_space<vmem>>
      %dma_wait3A_413 = arith.constant 0 : i32
      %dma_wait3A_414 = arith.constant 0 : i32
      %dma_wait3A_415 = tpu.memref_slice %arg8[%dma_wait3A_413, %dma_wait3A_414] : memref<10112x32xf32, #tpu.memory_space<vmem_shared>> -> memref<10112x32xf32, #tpu.memory_space<vmem_shared>>
      tpu.wait_indirect_dma semaphore(%arg12 : memref<!tpu.dma_semaphore, #tpu.memory_space<semaphore_mem>>) src(%dma_wait3A_415 : memref<10112x32xf32, #tpu.memory_space<vmem_shared>>) dst(%arg17 : memref<128x32xf32, #tpu.memory_space<vmem>>)
      %dma_start3A_416 = arith.constant 0 : i32
      %dma_start3A_417 = tpu.memref_slice %arg7[%add3A_409, %dma_start3A_416] : memref<160x128xi32, #tpu.memory_space<vmem>> -> memref<1x128xi32, #tpu.memory_space<vmem>>
      %dma_start3A_418 = tpu.memref_squeeze %dma_start3A_417 : memref<1x128xi32, #tpu.memory_space<vmem>> -> memref<128xi32, #tpu.memory_space<vmem>>
      %dma_start3A_419 = arith.constant 0 : i32
      %dma_start3A_420 = arith.constant 0 : i32
      %dma_start3A_421 = tpu.memref_slice %arg23[%dma_start3A_419, %dma_start3A_420] : memref<10112x32xf32, #tpu.memory_space<vmem_shared>> -> memref<10112x32xf32, #tpu.memory_space<vmem_shared>>
      tpu.enqueue_indirect_dma source(%arg17 : memref<128x32xf32, #tpu.memory_space<vmem>>) target(%dma_start3A_421 : memref<10112x32xf32, #tpu.memory_space<vmem_shared>>) offsets(%dma_start3A_418 : memref<128xi32, #tpu.memory_space<vmem>>) semaphore(%arg22 : memref<!tpu.dma_semaphore, #tpu.memory_space<semaphore_mem>>) {add = true}
      %get3A_422 = arith.index_cast %add3A_409 : i32 to index
      %get3A_423 = arith.constant 0 : index
      %get3A_424 = tpu.vector_load %arg7[%get3A_422, %get3A_423] {strides = array<i32>} : memref<160x128xi32, #tpu.memory_space<vmem>>, vector<16xi32>,
      tpu.vector_store_idx %arg13[%get3A_424], %broadcast_in_dim3A_3 {add = true} : memref<10112xf32, #tpu.memory_space<vmem>>[vector<16xi32>], vector<16xf32>,
      %get3A_425 = arith.index_cast %add3A_409 : i32 to index
      %get3A_426 = arith.constant 16 : index
      %get3A_427 = tpu.vector_load %arg7[%get3A_425, %get3A_426] {strides = array<i32>} : memref<160x128xi32, #tpu.memory_space<vmem>>, vector<16xi32>,
      tpu.vector_store_idx %arg13[%get3A_427], %broadcast_in_dim3A_3 {add = true} : memref<10112xf32, #tpu.memory_space<vmem>>[vector<16xi32>], vector<16xf32>,
      %get3A_428 = arith.index_cast %add3A_409 : i32 to index
      %get3A_429 = arith.constant 32 : index
      %get3A_430 = tpu.vector_load %arg7[%get3A_428, %get3A_429] {strides = array<i32>} : memref<160x128xi32, #tpu.memory_space<vmem>>, vector<16xi32>,
      tpu.vector_store_idx %arg13[%get3A_430], %broadcast_in_dim3A_3 {add = true} : memref<10112xf32, #tpu.memory_space<vmem>>[vector<16xi32>], vector<16xf32>,
      %get3A_431 = arith.index_cast %add3A_409 : i32 to index
      %get3A_432 = arith.constant 48 : index
      %get3A_433 = tpu.vector_load %arg7[%get3A_431, %get3A_432] {strides = array<i32>} : memref<160x128xi32, #tpu.memory_space<vmem>>, vector<16xi32>,
      tpu.vector_store_idx %arg13[%get3A_433], %broadcast_in_dim3A_3 {add = true} : memref<10112xf32, #tpu.memory_space<vmem>>[vector<16xi32>], vector<16xf32>,
      %get3A_434 = arith.index_cast %add3A_409 : i32 to index
      %get3A_435 = arith.constant 64 : index
      %get3A_436 = tpu.vector_load %arg7[%get3A_434, %get3A_435] {strides = array<i32>} : memref<160x128xi32, #tpu.memory_space<vmem>>, vector<16xi32>,
      tpu.vector_store_idx %arg13[%get3A_436], %broadcast_in_dim3A_3 {add = true} : memref<10112xf32, #tpu.memory_space<vmem>>[vector<16xi32>], vector<16xf32>,
      %get3A_437 = arith.index_cast %add3A_409 : i32 to index
      %get3A_438 = arith.constant 80 : index
      %get3A_439 = tpu.vector_load %arg7[%get3A_437, %get3A_438] {strides = array<i32>} : memref<160x128xi32, #tpu.memory_space<vmem>>, vector<16xi32>,
      tpu.vector_store_idx %arg13[%get3A_439], %broadcast_in_dim3A_3 {add = true} : memref<10112xf32, #tpu.memory_space<vmem>>[vector<16xi32>], vector<16xf32>,
      %get3A_440 = arith.index_cast %add3A_409 : i32 to index
      %get3A_441 = arith.constant 96 : index
      %get3A_442 = tpu.vector_load %arg7[%get3A_440, %get3A_441] {strides = array<i32>} : memref<160x128xi32, #tpu.memory_space<vmem>>, vector<16xi32>,
      tpu.vector_store_idx %arg13[%get3A_442], %broadcast_in_dim3A_3 {add = true} : memref<10112xf32, #tpu.memory_space<vmem>>[vector<16xi32>], vector<16xf32>,
      %get3A_443 = arith.index_cast %add3A_409 : i32 to index
      %get3A_444 = arith.constant 112 : index
      %get3A_445 = tpu.vector_load %arg7[%get3A_443, %get3A_444] {strides = array<i32>} : memref<160x128xi32, #tpu.memory_space<vmem>>, vector<16xi32>,
      tpu.vector_store_idx %arg13[%get3A_445], %broadcast_in_dim3A_3 {add = true} : memref<10112xf32, #tpu.memory_space<vmem>>[vector<16xi32>], vector<16xf32>,
      %dma_wait3A_446 = arith.constant 0 : i32
      %dma_wait3A_447 = tpu.memref_slice %arg7[%add3A_409, %dma_wait3A_446] : memref<160x128xi32, #tpu.memory_space<vmem>> -> memref<1x128xi32, #tpu.memory_space<vmem>>
      %dma_wait3A_448 = tpu.memref_squeeze %dma_wait3A_447 : memref<1x128xi32, #tpu.memory_space<vmem>> -> memref<128xi32, #tpu.memory_space<vmem>>
      %dma_wait3A_449 = arith.constant 0 : i32
      %dma_wait3A_450 = arith.constant 0 : i32
      %dma_wait3A_451 = tpu.memref_slice %arg23[%dma_wait3A_449, %dma_wait3A_450] : memref<10112x32xf32, #tpu.memory_space<vmem_shared>> -> memref<10112x32xf32, #tpu.memory_space<vmem_shared>>
      tpu.wait_indirect_dma semaphore(%arg20 : memref<!tpu.dma_semaphore, #tpu.memory_space<semaphore_mem>>) src(%arg15 : memref<128x32xf32, #tpu.memory_space<vmem>>) dst(%dma_wait3A_451 : memref<10112x32xf32, #tpu.memory_space<vmem_shared>>)
      %add3A_452 = arith.constant 2 : i32
      %add3A_453 = arith.addi %add3A_409, %add3A_452 : i32
      %dma_start3A_454 = arith.constant 0 : i32
      %dma_start3A_455 = tpu.memref_slice %arg18[%add3A_453, %dma_start3A_454] : memref<162x128xi32, #tpu.memory_space<vmem>> -> memref<1x128xi32, #tpu.memory_space<vmem>>
      %dma_start3A_456 = tpu.memref_squeeze %dma_start3A_455 : memref<1x128xi32, #tpu.memory_space<vmem>> -> memref<128xi32, #tpu.memory_space<vmem>>
      %dma_start3A_457 = arith.constant 0 : i32
      %dma_start3A_458 = arith.constant 0 : i32
      %dma_start3A_459 = tpu.memref_slice %arg8[%dma_start3A_457, %dma_start3A_458] : memref<10112x32xf32, #tpu.memory_space<vmem_shared>> -> memref<10112x32xf32, #tpu.memory_space<vmem_shared>>
      tpu.enqueue_indirect_dma source(%dma_start3A_459 : memref<10112x32xf32, #tpu.memory_space<vmem_shared>>) target(%arg15 : memref<128x32xf32, #tpu.memory_space<vmem>>) offsets(%dma_start3A_456 : memref<128xi32, #tpu.memory_space<vmem>>) semaphore(%arg10 : memref<!tpu.dma_semaphore, #tpu.memory_space<semaphore_mem>>)
      %scan3A_460 = arith.constant 0 : i32
      scf.yield %scan3A_460 : i32
    }
    %scan3A_150 = arith.constant 40 : i32
    %dma_wait3A = arith.constant 0 : i32
    %dma_wait3A_151 = arith.constant 0 : i32
    %dma_wait3A_152 = tpu.memref_slice %arg7[%dma_wait3A, %dma_wait3A_151] : memref<160x128xi32, #tpu.memory_space<vmem>> -> memref<1x128xi32, #tpu.memory_space<vmem>>
    %dma_wait3A_153 = tpu.memref_squeeze %dma_wait3A_152 : memref<1x128xi32, #tpu.memory_space<vmem>> -> memref<128xi32, #tpu.memory_space<vmem>>
    %dma_wait3A_154 = arith.constant 0 : i32
    %dma_wait3A_155 = arith.constant 0 : i32
    %dma_wait3A_156 = tpu.memref_slice %arg23[%dma_wait3A_154, %dma_wait3A_155] : memref<10112x32xf32, #tpu.memory_space<vmem_shared>> -> memref<10112x32xf32, #tpu.memory_space<vmem_shared>>
    tpu.wait_indirect_dma semaphore(%arg21 : memref<!tpu.dma_semaphore, #tpu.memory_space<semaphore_mem>>) src(%arg16 : memref<128x32xf32, #tpu.memory_space<vmem>>) dst(%dma_wait3A_156 : memref<10112x32xf32, #tpu.memory_space<vmem_shared>>)
    %dma_wait3A_157 = arith.constant 0 : i32
    %dma_wait3A_158 = arith.constant 0 : i32
    %dma_wait3A_159 = tpu.memref_slice %arg18[%dma_wait3A_157, %dma_wait3A_158] : memref<162x128xi32, #tpu.memory_space<vmem>> -> memref<1x128xi32, #tpu.memory_space<vmem>>
    %dma_wait3A_160 = tpu.memref_squeeze %dma_wait3A_159 : memref<1x128xi32, #tpu.memory_space<vmem>> -> memref<128xi32, #tpu.memory_space<vmem>>
    %dma_wait3A_161 = arith.constant 0 : i32
    %dma_wait3A_162 = arith.constant 0 : i32
    %dma_wait3A_163 = tpu.memref_slice %arg8[%dma_wait3A_161, %dma_wait3A_162] : memref<10112x32xf32, #tpu.memory_space<vmem_shared>> -> memref<10112x32xf32, #tpu.memory_space<vmem_shared>>
    tpu.wait_indirect_dma semaphore(%arg9 : memref<!tpu.dma_semaphore, #tpu.memory_space<semaphore_mem>>) src(%dma_wait3A_163 : memref<10112x32xf32, #tpu.memory_space<vmem_shared>>) dst(%arg14 : memref<128x32xf32, #tpu.memory_space<vmem>>)
    %dma_wait3A_164 = arith.constant 0 : i32
    %dma_wait3A_165 = arith.constant 0 : i32
    %dma_wait3A_166 = tpu.memref_slice %arg7[%dma_wait3A_164, %dma_wait3A_165] : memref<160x128xi32, #tpu.memory_space<vmem>> -> memref<1x128xi32, #tpu.memory_space<vmem>>
    %dma_wait3A_167 = tpu.memref_squeeze %dma_wait3A_166 : memref<1x128xi32, #tpu.memory_space<vmem>> -> memref<128xi32, #tpu.memory_space<vmem>>
    %dma_wait3A_168 = arith.constant 0 : i32
    %dma_wait3A_169 = arith.constant 0 : i32
    %dma_wait3A_170 = tpu.memref_slice %arg23[%dma_wait3A_168, %dma_wait3A_169] : memref<10112x32xf32, #tpu.memory_space<vmem_shared>> -> memref<10112x32xf32, #tpu.memory_space<vmem_shared>>
    tpu.wait_indirect_dma semaphore(%arg22 : memref<!tpu.dma_semaphore, #tpu.memory_space<semaphore_mem>>) src(%arg17 : memref<128x32xf32, #tpu.memory_space<vmem>>) dst(%dma_wait3A_170 : memref<10112x32xf32, #tpu.memory_space<vmem_shared>>)
    %dma_wait3A_171 = arith.constant 0 : i32
    %dma_wait3A_172 = arith.constant 0 : i32
    %dma_wait3A_173 = tpu.memref_slice %arg18[%dma_wait3A_171, %dma_wait3A_172] : memref<162x128xi32, #tpu.memory_space<vmem>> -> memref<1x128xi32, #tpu.memory_space<vmem>>
    %dma_wait3A_174 = tpu.memref_squeeze %dma_wait3A_173 : memref<1x128xi32, #tpu.memory_space<vmem>> -> memref<128xi32, #tpu.memory_space<vmem>>
    %dma_wait3A_175 = arith.constant 0 : i32
    %dma_wait3A_176 = arith.constant 0 : i32
    %dma_wait3A_177 = tpu.memref_slice %arg8[%dma_wait3A_175, %dma_wait3A_176] : memref<10112x32xf32, #tpu.memory_space<vmem_shared>> -> memref<10112x32xf32, #tpu.memory_space<vmem_shared>>
    tpu.wait_indirect_dma semaphore(%arg10 : memref<!tpu.dma_semaphore, #tpu.memory_space<semaphore_mem>>) src(%dma_wait3A_177 : memref<10112x32xf32, #tpu.memory_space<vmem_shared>>) dst(%arg15 : memref<128x32xf32, #tpu.memory_space<vmem>>)
    %barrier3A_178 = arith.constant 0 : index
    tpu.barrier barrier_id(%barrier3A_178)
    "tpu.region"() ({
      %run_scoped3A = tpu.sem_alloc : memref<!tpu.dma_semaphore, #tpu.memory_space<semaphore_mem>>
      %dma_start3A_252 = arith.constant 0 : i32
      %dma_start3A_253 = tpu.memref_slice %arg5[%add3A_114, %mul3A_0, %dma_start3A_252] : memref<4x10112x32xf32, #tpu.memory_space<hbm>> -> memref<1x632x32xf32, #tpu.memory_space<hbm>>
      %dma_start3A_254 = tpu.memref_squeeze %dma_start3A_253 : memref<1x632x32xf32, #tpu.memory_space<hbm>> -> memref<632x32xf32, #tpu.memory_space<hbm>>
      %dma_start3A_255 = arith.constant 0 : i32
      %dma_start3A_256 = tpu.memref_slice %arg23[%mul3A_0, %dma_start3A_255] : memref<10112x32xf32, #tpu.memory_space<vmem_shared>> -> memref<632x32xf32, #tpu.memory_space<vmem_shared>>
      tpu.enqueue_dma source(%dma_start3A_256 : memref<632x32xf32, #tpu.memory_space<vmem_shared>>) target(%dma_start3A_254 : memref<632x32xf32, #tpu.memory_space<hbm>>) target_semaphore(%run_scoped3A : memref<!tpu.dma_semaphore, #tpu.memory_space<semaphore_mem>>)
      %dma_wait3A_257 = arith.constant 0 : i32
      %dma_wait3A_258 = tpu.memref_slice %arg5[%add3A_114, %mul3A_0, %dma_wait3A_257] : memref<4x10112x32xf32, #tpu.memory_space<hbm>> -> memref<1x632x32xf32, #tpu.memory_space<hbm>>
      %dma_wait3A_259 = tpu.memref_squeeze %dma_wait3A_258 : memref<1x632x32xf32, #tpu.memory_space<hbm>> -> memref<632x32xf32, #tpu.memory_space<hbm>>
      %dma_wait3A_260 = arith.constant 0 : i32
      %dma_wait3A_261 = tpu.memref_slice %arg23[%mul3A_0, %dma_wait3A_260] : memref<10112x32xf32, #tpu.memory_space<vmem_shared>> -> memref<632x32xf32, #tpu.memory_space<vmem_shared>>
      tpu.wait_dma2 semaphore(%run_scoped3A : memref<!tpu.dma_semaphore, #tpu.memory_space<semaphore_mem>>) src(%dma_wait3A_261 : memref<632x32xf32, #tpu.memory_space<vmem_shared>>) dst(%dma_wait3A_259 : memref<632x32xf32, #tpu.memory_space<hbm>>)
      tpu.yield
    }) : () -> ()
    %eq3A = arith.constant 0 : i32
    %eq3A_179 = arith.cmpi eq, %arg0, %eq3A : i32
    %convert_element_type3A = arith.extui %eq3A_179 : i1 to i32
    %cond3A = arith.constant 0 : i32
    %cond3A_180 = arith.cmpi ne, %convert_element_type3A, %cond3A : i32
    scf.if %cond3A_180 {
      "tpu.region"() ({
        %run_scoped3A = tpu.sem_alloc : memref<!tpu.dma_semaphore, #tpu.memory_space<semaphore_mem>>
        %dma_start3A_252 = arith.constant 0 : i32
        %dma_start3A_253 = tpu.memref_slice %arg6[%arg1, %dma_start3A_252] : memref<16x10112xf32, #tpu.memory_space<hbm>> -> memref<1x10112xf32, #tpu.memory_space<hbm>>
        %dma_start3A_254 = tpu.memref_squeeze %dma_start3A_253 : memref<1x10112xf32, #tpu.memory_space<hbm>> -> memref<10112xf32, #tpu.memory_space<hbm>>
        %dma_start3A_255 = arith.constant 0 : i32
        %dma_start3A_256 = tpu.memref_slice %arg6[%arg1, %dma_start3A_255] : memref<16x10112xf32, #tpu.memory_space<hbm>> -> memref<1x10112xf32, #tpu.memory_space<hbm>>
        %dma_start3A_257 = tpu.memref_squeeze %dma_start3A_256 : memref<1x10112xf32, #tpu.memory_space<hbm>> -> memref<10112xf32, #tpu.memory_space<hbm>>
        tpu.enqueue_dma source(%arg13 : memref<10112xf32, #tpu.memory_space<vmem>>) target(%dma_start3A_257 : memref<10112xf32, #tpu.memory_space<hbm>>) target_semaphore(%run_scoped3A : memref<!tpu.dma_semaphore, #tpu.memory_space<semaphore_mem>>)
        %dma_wait3A_258 = arith.constant 0 : i32
        %dma_wait3A_259 = tpu.memref_slice %arg6[%arg1, %dma_wait3A_258] : memref<16x10112xf32, #tpu.memory_space<hbm>> -> memref<1x10112xf32, #tpu.memory_space<hbm>>
        %dma_wait3A_260 = tpu.memref_squeeze %dma_wait3A_259 : memref<1x10112xf32, #tpu.memory_space<hbm>> -> memref<10112xf32, #tpu.memory_space<hbm>>
        %dma_wait3A_261 = arith.constant 0 : i32
        %dma_wait3A_262 = tpu.memref_slice %arg6[%arg1, %dma_wait3A_261] : memref<16x10112xf32, #tpu.memory_space<hbm>> -> memref<1x10112xf32, #tpu.memory_space<hbm>>
        %dma_wait3A_263 = tpu.memref_squeeze %dma_wait3A_262 : memref<1x10112xf32, #tpu.memory_space<hbm>> -> memref<10112xf32, #tpu.memory_space<hbm>>
        tpu.wait_dma2 semaphore(%run_scoped3A : memref<!tpu.dma_semaphore, #tpu.memory_space<semaphore_mem>>) src(%arg13 : memref<10112xf32, #tpu.memory_space<vmem>>) dst(%dma_wait3A_263 : memref<10112xf32, #tpu.memory_space<hbm>>)
        tpu.yield
      }) : () -> ()
    } else {
    }
    %mul3A_181 = arith.constant 2 : i32
    %mul3A_182 = arith.muli %arg0, %mul3A_181 : i32
    %add3A_183 = arith.constant 1 : i32
    %add3A_184 = arith.addi %mul3A_182, %add3A_183 : i32
    %mul3A_185 = arith.constant 625 : i32
    %mul3A_186 = arith.muli %arg1, %mul3A_185 : i32
    %mul3A_187 = arith.constant 32 : i32
    %mul3A_188 = arith.muli %add3A_184, %mul3A_187 : i32
    %mul3A_189 = arith.constant 625 : i32
    %mul3A_190 = arith.muli %arg1, %mul3A_189 : i32
    "tpu.region"() ({
      %run_scoped3A = tpu.sem_alloc : memref<!tpu.dma_semaphore, #tpu.memory_space<semaphore_mem>>
      %dma_start3A_252 = arith.constant 0 : i32
      %dma_start3A_253 = tpu.memref_slice %arg8[%mul3A_190, %dma_start3A_252] : memref<10112x32xf32, #tpu.memory_space<vmem_shared>> -> memref<625x32xf32, #tpu.memory_space<vmem_shared>>
      %dma_start3A_254 = tpu.memref_slice %arg2[%mul3A_186, %mul3A_188] : memref<10000x128xf32, #tpu.memory_space<hbm>> -> memref<625x32xf32, #tpu.memory_space<hbm>>
      tpu.enqueue_dma source(%dma_start3A_254 : memref<625x32xf32, #tpu.memory_space<hbm>>) target(%dma_start3A_253 : memref<625x32xf32, #tpu.memory_space<vmem_shared>>) target_semaphore(%run_scoped3A : memref<!tpu.dma_semaphore, #tpu.memory_space<semaphore_mem>>)
      %dma_wait3A_255 = arith.constant 0 : i32
      %dma_wait3A_256 = tpu.memref_slice %arg8[%mul3A_190, %dma_wait3A_255] : memref<10112x32xf32, #tpu.memory_space<vmem_shared>> -> memref<625x32xf32, #tpu.memory_space<vmem_shared>>
      %dma_wait3A_257 = tpu.memref_slice %arg2[%mul3A_186, %mul3A_188] : memref<10000x128xf32, #tpu.memory_space<hbm>> -> memref<625x32xf32, #tpu.memory_space<hbm>>
      tpu.wait_dma2 semaphore(%run_scoped3A : memref<!tpu.dma_semaphore, #tpu.memory_space<semaphore_mem>>) src(%dma_wait3A_257 : memref<625x32xf32, #tpu.memory_space<hbm>>) dst(%dma_wait3A_256 : memref<625x32xf32, #tpu.memory_space<vmem_shared>>)
      tpu.yield
    }) : () -> ()
    %add3A_191 = arith.constant 0 : i32
    %add3A_192 = arith.addi %mul3A_0, %add3A_191 : i32
    "tpu.region"() ({
      %run_scoped3A = tpu.sem_alloc : memref<!tpu.dma_semaphore, #tpu.memory_space<semaphore_mem>>
      %dma_start3A_252 = arith.constant 0 : i32
      %dma_start3A_253 = tpu.memref_slice %arg23[%add3A_192, %dma_start3A_252] : memref<10112x32xf32, #tpu.memory_space<vmem_shared>> -> memref<128x32xf32, #tpu.memory_space<vmem_shared>>
      %dma_start3A_254 = arith.constant 0 : i32
      %dma_start3A_255 = tpu.memref_slice %arg23[%add3A_192, %dma_start3A_254] : memref<10112x32xf32, #tpu.memory_space<vmem_shared>> -> memref<128x32xf32, #tpu.memory_space<vmem_shared>>
      tpu.enqueue_dma source(%arg24 : memref<128x32xf32, #tpu.memory_space<vmem>>) target(%dma_start3A_255 : memref<128x32xf32, #tpu.memory_space<vmem_shared>>) target_semaphore(%run_scoped3A : memref<!tpu.dma_semaphore, #tpu.memory_space<semaphore_mem>>)
      %dma_wait3A_256 = arith.constant 0 : i32
      %dma_wait3A_257 = tpu.memref_slice %arg23[%add3A_192, %dma_wait3A_256] : memref<10112x32xf32, #tpu.memory_space<vmem_shared>> -> memref<128x32xf32, #tpu.memory_space<vmem_shared>>
      %dma_wait3A_258 = arith.constant 0 : i32
      %dma_wait3A_259 = tpu.memref_slice %arg23[%add3A_192, %dma_wait3A_258] : memref<10112x32xf32, #tpu.memory_space<vmem_shared>> -> memref<128x32xf32, #tpu.memory_space<vmem_shared>>
      tpu.wait_dma2 semaphore(%run_scoped3A : memref<!tpu.dma_semaphore, #tpu.memory_space<semaphore_mem>>) src(%arg24 : memref<128x32xf32, #tpu.memory_space<vmem>>) dst(%dma_wait3A_259 : memref<128x32xf32, #tpu.memory_space<vmem_shared>>)
      tpu.yield
    }) : () -> ()
    %add3A_193 = arith.constant 128 : i32
    %add3A_194 = arith.addi %mul3A_0, %add3A_193 : i32
    "tpu.region"() ({
      %run_scoped3A = tpu.sem_alloc : memref<!tpu.dma_semaphore, #tpu.memory_space<semaphore_mem>>
      %dma_start3A_252 = arith.constant 0 : i32
      %dma_start3A_253 = tpu.memref_slice %arg23[%add3A_194, %dma_start3A_252] : memref<10112x32xf32, #tpu.memory_space<vmem_shared>> -> memref<128x32xf32, #tpu.memory_space<vmem_shared>>
      %dma_start3A_254 = arith.constant 0 : i32
      %dma_start3A_255 = tpu.memref_slice %arg23[%add3A_194, %dma_start3A_254] : memref<10112x32xf32, #tpu.memory_space<vmem_shared>> -> memref<128x32xf32, #tpu.memory_space<vmem_shared>>
      tpu.enqueue_dma source(%arg24 : memref<128x32xf32, #tpu.memory_space<vmem>>) target(%dma_start3A_255 : memref<128x32xf32, #tpu.memory_space<vmem_shared>>) target_semaphore(%run_scoped3A : memref<!tpu.dma_semaphore, #tpu.memory_space<semaphore_mem>>)
      %dma_wait3A_256 = arith.constant 0 : i32
      %dma_wait3A_257 = tpu.memref_slice %arg23[%add3A_194, %dma_wait3A_256] : memref<10112x32xf32, #tpu.memory_space<vmem_shared>> -> memref<128x32xf32, #tpu.memory_space<vmem_shared>>
      %dma_wait3A_258 = arith.constant 0 : i32
      %dma_wait3A_259 = tpu.memref_slice %arg23[%add3A_194, %dma_wait3A_258] : memref<10112x32xf32, #tpu.memory_space<vmem_shared>> -> memref<128x32xf32, #tpu.memory_space<vmem_shared>>
      tpu.wait_dma2 semaphore(%run_scoped3A : memref<!tpu.dma_semaphore, #tpu.memory_space<semaphore_mem>>) src(%arg24 : memref<128x32xf32, #tpu.memory_space<vmem>>) dst(%dma_wait3A_259 : memref<128x32xf32, #tpu.memory_space<vmem_shared>>)
      tpu.yield
    }) : () -> ()
    %add3A_195 = arith.constant 256 : i32
    %add3A_196 = arith.addi %mul3A_0, %add3A_195 : i32
    "tpu.region"() ({
      %run_scoped3A = tpu.sem_alloc : memref<!tpu.dma_semaphore, #tpu.memory_space<semaphore_mem>>
      %dma_start3A_252 = arith.constant 0 : i32
      %dma_start3A_253 = tpu.memref_slice %arg23[%add3A_196, %dma_start3A_252] : memref<10112x32xf32, #tpu.memory_space<vmem_shared>> -> memref<128x32xf32, #tpu.memory_space<vmem_shared>>
      %dma_start3A_254 = arith.constant 0 : i32
      %dma_start3A_255 = tpu.memref_slice %arg23[%add3A_196, %dma_start3A_254] : memref<10112x32xf32, #tpu.memory_space<vmem_shared>> -> memref<128x32xf32, #tpu.memory_space<vmem_shared>>
      tpu.enqueue_dma source(%arg24 : memref<128x32xf32, #tpu.memory_space<vmem>>) target(%dma_start3A_255 : memref<128x32xf32, #tpu.memory_space<vmem_shared>>) target_semaphore(%run_scoped3A : memref<!tpu.dma_semaphore, #tpu.memory_space<semaphore_mem>>)
      %dma_wait3A_256 = arith.constant 0 : i32
      %dma_wait3A_257 = tpu.memref_slice %arg23[%add3A_196, %dma_wait3A_256] : memref<10112x32xf32, #tpu.memory_space<vmem_shared>> -> memref<128x32xf32, #tpu.memory_space<vmem_shared>>
      %dma_wait3A_258 = arith.constant 0 : i32
      %dma_wait3A_259 = tpu.memref_slice %arg23[%add3A_196, %dma_wait3A_258] : memref<10112x32xf32, #tpu.memory_space<vmem_shared>> -> memref<128x32xf32, #tpu.memory_space<vmem_shared>>
      tpu.wait_dma2 semaphore(%run_scoped3A : memref<!tpu.dma_semaphore, #tpu.memory_space<semaphore_mem>>) src(%arg24 : memref<128x32xf32, #tpu.memory_space<vmem>>) dst(%dma_wait3A_259 : memref<128x32xf32, #tpu.memory_space<vmem_shared>>)
      tpu.yield
    }) : () -> ()
    %add3A_197 = arith.constant 384 : i32
    %add3A_198 = arith.addi %mul3A_0, %add3A_197 : i32
    "tpu.region"() ({
      %run_scoped3A = tpu.sem_alloc : memref<!tpu.dma_semaphore, #tpu.memory_space<semaphore_mem>>
      %dma_start3A_252 = arith.constant 0 : i32
      %dma_start3A_253 = tpu.memref_slice %arg23[%add3A_198, %dma_start3A_252] : memref<10112x32xf32, #tpu.memory_space<vmem_shared>> -> memref<128x32xf32, #tpu.memory_space<vmem_shared>>
      %dma_start3A_254 = arith.constant 0 : i32
      %dma_start3A_255 = tpu.memref_slice %arg23[%add3A_198, %dma_start3A_254] : memref<10112x32xf32, #tpu.memory_space<vmem_shared>> -> memref<128x32xf32, #tpu.memory_space<vmem_shared>>
      tpu.enqueue_dma source(%arg24 : memref<128x32xf32, #tpu.memory_space<vmem>>) target(%dma_start3A_255 : memref<128x32xf32, #tpu.memory_space<vmem_shared>>) target_semaphore(%run_scoped3A : memref<!tpu.dma_semaphore, #tpu.memory_space<semaphore_mem>>)
      %dma_wait3A_256 = arith.constant 0 : i32
      %dma_wait3A_257 = tpu.memref_slice %arg23[%add3A_198, %dma_wait3A_256] : memref<10112x32xf32, #tpu.memory_space<vmem_shared>> -> memref<128x32xf32, #tpu.memory_space<vmem_shared>>
      %dma_wait3A_258 = arith.constant 0 : i32
      %dma_wait3A_259 = tpu.memref_slice %arg23[%add3A_198, %dma_wait3A_258] : memref<10112x32xf32, #tpu.memory_space<vmem_shared>> -> memref<128x32xf32, #tpu.memory_space<vmem_shared>>
      tpu.wait_dma2 semaphore(%run_scoped3A : memref<!tpu.dma_semaphore, #tpu.memory_space<semaphore_mem>>) src(%arg24 : memref<128x32xf32, #tpu.memory_space<vmem>>) dst(%dma_wait3A_259 : memref<128x32xf32, #tpu.memory_space<vmem_shared>>)
      tpu.yield
    }) : () -> ()
    %add3A_199 = arith.constant 512 : i32
    %add3A_200 = arith.addi %mul3A_0, %add3A_199 : i32
    "tpu.region"() ({
      %run_scoped3A = tpu.sem_alloc : memref<!tpu.dma_semaphore, #tpu.memory_space<semaphore_mem>>
      %dma_start3A_252 = arith.constant 0 : i32
      %dma_start3A_253 = arith.constant 0 : i32
      %dma_start3A_254 = tpu.memref_slice %arg24[%dma_start3A_252, %dma_start3A_253] : memref<128x32xf32, #tpu.memory_space<vmem>> -> memref<120x32xf32, #tpu.memory_space<vmem>>
      %dma_start3A_255 = arith.constant 0 : i32
      %dma_start3A_256 = tpu.memref_slice %arg23[%add3A_200, %dma_start3A_255] : memref<10112x32xf32, #tpu.memory_space<vmem_shared>> -> memref<120x32xf32, #tpu.memory_space<vmem_shared>>
      %dma_start3A_257 = arith.constant 0 : i32
      %dma_start3A_258 = tpu.memref_slice %arg23[%add3A_200, %dma_start3A_257] : memref<10112x32xf32, #tpu.memory_space<vmem_shared>> -> memref<120x32xf32, #tpu.memory_space<vmem_shared>>
      %dma_start3A_259 = arith.constant 0 : i32
      %dma_start3A_260 = arith.constant 0 : i32
      %dma_start3A_261 = tpu.memref_slice %arg24[%dma_start3A_259, %dma_start3A_260] : memref<128x32xf32, #tpu.memory_space<vmem>> -> memref<120x32xf32, #tpu.memory_space<vmem>>
      tpu.enqueue_dma source(%dma_start3A_261 : memref<120x32xf32, #tpu.memory_space<vmem>>) target(%dma_start3A_258 : memref<120x32xf32, #tpu.memory_space<vmem_shared>>) target_semaphore(%run_scoped3A : memref<!tpu.dma_semaphore, #tpu.memory_space<semaphore_mem>>)
      %dma_wait3A_262 = arith.constant 0 : i32
      %dma_wait3A_263 = arith.constant 0 : i32
      %dma_wait3A_264 = tpu.memref_slice %arg24[%dma_wait3A_262, %dma_wait3A_263] : memref<128x32xf32, #tpu.memory_space<vmem>> -> memref<120x32xf32, #tpu.memory_space<vmem>>
      %dma_wait3A_265 = arith.constant 0 : i32
      %dma_wait3A_266 = tpu.memref_slice %arg23[%add3A_200, %dma_wait3A_265] : memref<10112x32xf32, #tpu.memory_space<vmem_shared>> -> memref<120x32xf32, #tpu.memory_space<vmem_shared>>
      %dma_wait3A_267 = arith.constant 0 : i32
      %dma_wait3A_268 = tpu.memref_slice %arg23[%add3A_200, %dma_wait3A_267] : memref<10112x32xf32, #tpu.memory_space<vmem_shared>> -> memref<120x32xf32, #tpu.memory_space<vmem_shared>>
      %dma_wait3A_269 = arith.constant 0 : i32
      %dma_wait3A_270 = arith.constant 0 : i32
      %dma_wait3A_271 = tpu.memref_slice %arg24[%dma_wait3A_269, %dma_wait3A_270] : memref<128x32xf32, #tpu.memory_space<vmem>> -> memref<120x32xf32, #tpu.memory_space<vmem>>
      tpu.wait_dma2 semaphore(%run_scoped3A : memref<!tpu.dma_semaphore, #tpu.memory_space<semaphore_mem>>) src(%dma_wait3A_271 : memref<120x32xf32, #tpu.memory_space<vmem>>) dst(%dma_wait3A_268 : memref<120x32xf32, #tpu.memory_space<vmem_shared>>)
      tpu.yield
    }) : () -> ()
    %barrier3A_201 = arith.constant 0 : index
    tpu.barrier barrier_id(%barrier3A_201)
    %dma_start3A_202 = arith.constant 0 : i32
    %dma_start3A_203 = arith.constant 0 : i32
    %dma_start3A_204 = tpu.memref_slice %arg18[%dma_start3A_202, %dma_start3A_203] : memref<162x128xi32, #tpu.memory_space<vmem>> -> memref<1x128xi32, #tpu.memory_space<vmem>>
    %dma_start3A_205 = tpu.memref_squeeze %dma_start3A_204 : memref<1x128xi32, #tpu.memory_space<vmem>> -> memref<128xi32, #tpu.memory_space<vmem>>
    %dma_start3A_206 = arith.constant 0 : i32
    %dma_start3A_207 = arith.constant 0 : i32
    %dma_start3A_208 = tpu.memref_slice %arg8[%dma_start3A_206, %dma_start3A_207] : memref<10112x32xf32, #tpu.memory_space<vmem_shared>> -> memref<10112x32xf32, #tpu.memory_space<vmem_shared>>
    tpu.enqueue_indirect_dma source(%dma_start3A_208 : memref<10112x32xf32, #tpu.memory_space<vmem_shared>>) target(%arg14 : memref<128x32xf32, #tpu.memory_space<vmem>>) offsets(%dma_start3A_205 : memref<128xi32, #tpu.memory_space<vmem>>) semaphore(%arg9 : memref<!tpu.dma_semaphore, #tpu.memory_space<semaphore_mem>>)
    %dma_start3A_209 = arith.constant 1 : i32
    %dma_start3A_210 = arith.constant 0 : i32
    %dma_start3A_211 = tpu.memref_slice %arg18[%dma_start3A_209, %dma_start3A_210] : memref<162x128xi32, #tpu.memory_space<vmem>> -> memref<1x128xi32, #tpu.memory_space<vmem>>
    %dma_start3A_212 = tpu.memref_squeeze %dma_start3A_211 : memref<1x128xi32, #tpu.memory_space<vmem>> -> memref<128xi32, #tpu.memory_space<vmem>>
    %dma_start3A_213 = arith.constant 0 : i32
    %dma_start3A_214 = arith.constant 0 : i32
    %dma_start3A_215 = tpu.memref_slice %arg8[%dma_start3A_213, %dma_start3A_214] : memref<10112x32xf32, #tpu.memory_space<vmem_shared>> -> memref<10112x32xf32, #tpu.memory_space<vmem_shared>>
    tpu.enqueue_indirect_dma source(%dma_start3A_215 : memref<10112x32xf32, #tpu.memory_space<vmem_shared>>) target(%arg15 : memref<128x32xf32, #tpu.memory_space<vmem>>) offsets(%dma_start3A_212 : memref<128xi32, #tpu.memory_space<vmem>>) semaphore(%arg10 : memref<!tpu.dma_semaphore, #tpu.memory_space<semaphore_mem>>)
    %scan3A_216 = arith.constant 0 : i32
    %scan3A_217 = arith.constant 0 : i32
    %scan3A_218 = arith.constant 40 : i32
    %scan3A_219 = arith.addi %scan3A_217, %scan3A_218 : i32
    %scan3A_220 = arith.constant 1 : i32
    %scan3A_221 = scf.for %scan3A_252 = %scan3A_217 to %scan3A_219 step %scan3A_220 iter_args(%scan3A_253 = %scan3A_216) -> (i32)  : i32 {
      %mul3A_254 = arith.constant 4 : i32
      %mul3A_255 = arith.muli %mul3A_254, %scan3A_252 : i32
      %add3A_256 = arith.constant 0 : i32
      %add3A_257 = arith.addi %mul3A_255, %add3A_256 : i32
      %dma_wait3A_258 = arith.constant 0 : i32
      %dma_wait3A_259 = tpu.memref_slice %arg18[%add3A_257, %dma_wait3A_258] : memref<162x128xi32, #tpu.memory_space<vmem>> -> memref<1x128xi32, #tpu.memory_space<vmem>>
      %dma_wait3A_260 = tpu.memref_squeeze %dma_wait3A_259 : memref<1x128xi32, #tpu.memory_space<vmem>> -> memref<128xi32, #tpu.memory_space<vmem>>
      %dma_wait3A_261 = arith.constant 0 : i32
      %dma_wait3A_262 = arith.constant 0 : i32
      %dma_wait3A_263 = tpu.memref_slice %arg8[%dma_wait3A_261, %dma_wait3A_262] : memref<10112x32xf32, #tpu.memory_space<vmem_shared>> -> memref<10112x32xf32, #tpu.memory_space<vmem_shared>>
      tpu.wait_indirect_dma semaphore(%arg9 : memref<!tpu.dma_semaphore, #tpu.memory_space<semaphore_mem>>) src(%dma_wait3A_263 : memref<10112x32xf32, #tpu.memory_space<vmem_shared>>) dst(%arg14 : memref<128x32xf32, #tpu.memory_space<vmem>>)
      %dma_start3A_264 = arith.constant 0 : i32
      %dma_start3A_265 = tpu.memref_slice %arg7[%add3A_257, %dma_start3A_264] : memref<160x128xi32, #tpu.memory_space<vmem>> -> memref<1x128xi32, #tpu.memory_space<vmem>>
      %dma_start3A_266 = tpu.memref_squeeze %dma_start3A_265 : memref<1x128xi32, #tpu.memory_space<vmem>> -> memref<128xi32, #tpu.memory_space<vmem>>
      %dma_start3A_267 = arith.constant 0 : i32
      %dma_start3A_268 = arith.constant 0 : i32
      %dma_start3A_269 = tpu.memref_slice %arg23[%dma_start3A_267, %dma_start3A_268] : memref<10112x32xf32, #tpu.memory_space<vmem_shared>> -> memref<10112x32xf32, #tpu.memory_space<vmem_shared>>
      tpu.enqueue_indirect_dma source(%arg14 : memref<128x32xf32, #tpu.memory_space<vmem>>) target(%dma_start3A_269 : memref<10112x32xf32, #tpu.memory_space<vmem_shared>>) offsets(%dma_start3A_266 : memref<128xi32, #tpu.memory_space<vmem>>) semaphore(%arg19 : memref<!tpu.dma_semaphore, #tpu.memory_space<semaphore_mem>>) {add = true}
      %gt3A = arith.constant 0 : i32
      %gt3A_270 = arith.cmpi sgt, %scan3A_252, %gt3A : i32
      %convert_element_type3A_271 = arith.extui %gt3A_270 : i1 to i32
      %cond3A_272 = arith.constant 0 : i32
      %cond3A_273 = arith.cmpi ne, %convert_element_type3A_271, %cond3A_272 : i32
      scf.if %cond3A_273 {
        %dma_wait3A_366 = arith.constant 0 : i32
        %dma_wait3A_367 = tpu.memref_slice %arg7[%add3A_257, %dma_wait3A_366] : memref<160x128xi32, #tpu.memory_space<vmem>> -> memref<1x128xi32, #tpu.memory_space<vmem>>
        %dma_wait3A_368 = tpu.memref_squeeze %dma_wait3A_367 : memref<1x128xi32, #tpu.memory_space<vmem>> -> memref<128xi32, #tpu.memory_space<vmem>>
        %dma_wait3A_369 = arith.constant 0 : i32
        %dma_wait3A_370 = arith.constant 0 : i32
        %dma_wait3A_371 = tpu.memref_slice %arg23[%dma_wait3A_369, %dma_wait3A_370] : memref<10112x32xf32, #tpu.memory_space<vmem_shared>> -> memref<10112x32xf32, #tpu.memory_space<vmem_shared>>
        tpu.wait_indirect_dma semaphore(%arg21 : memref<!tpu.dma_semaphore, #tpu.memory_space<semaphore_mem>>) src(%arg16 : memref<128x32xf32, #tpu.memory_space<vmem>>) dst(%dma_wait3A_371 : memref<10112x32xf32, #tpu.memory_space<vmem_shared>>)
        %add3A_372 = arith.constant 2 : i32
        %add3A_373 = arith.addi %add3A_257, %add3A_372 : i32
        %dma_start3A_374 = arith.constant 0 : i32
        %dma_start3A_375 = tpu.memref_slice %arg18[%add3A_373, %dma_start3A_374] : memref<162x128xi32, #tpu.memory_space<vmem>> -> memref<1x128xi32, #tpu.memory_space<vmem>>
        %dma_start3A_376 = tpu.memref_squeeze %dma_start3A_375 : memref<1x128xi32, #tpu.memory_space<vmem>> -> memref<128xi32, #tpu.memory_space<vmem>>
        %dma_start3A_377 = arith.constant 0 : i32
        %dma_start3A_378 = arith.constant 0 : i32
        %dma_start3A_379 = tpu.memref_slice %arg8[%dma_start3A_377, %dma_start3A_378] : memref<10112x32xf32, #tpu.memory_space<vmem_shared>> -> memref<10112x32xf32, #tpu.memory_space<vmem_shared>>
        tpu.enqueue_indirect_dma source(%dma_start3A_379 : memref<10112x32xf32, #tpu.memory_space<vmem_shared>>) target(%arg16 : memref<128x32xf32, #tpu.memory_space<vmem>>) offsets(%dma_start3A_376 : memref<128xi32, #tpu.memory_space<vmem>>) semaphore(%arg11 : memref<!tpu.dma_semaphore, #tpu.memory_space<semaphore_mem>>)
      } else {
      }
      %eq3A_274 = arith.constant 0 : i32
      %eq3A_275 = arith.cmpi eq, %scan3A_252, %eq3A_274 : i32
      %convert_element_type3A_276 = arith.extui %eq3A_275 : i1 to i32
      %cond3A_277 = arith.constant 0 : i32
      %cond3A_278 = arith.cmpi ne, %convert_element_type3A_276, %cond3A_277 : i32
      scf.if %cond3A_278 {
        %add3A_366 = arith.constant 2 : i32
        %add3A_367 = arith.addi %add3A_257, %add3A_366 : i32
        %dma_start3A_368 = arith.constant 0 : i32
        %dma_start3A_369 = tpu.memref_slice %arg18[%add3A_367, %dma_start3A_368] : memref<162x128xi32, #tpu.memory_space<vmem>> -> memref<1x128xi32, #tpu.memory_space<vmem>>
        %dma_start3A_370 = tpu.memref_squeeze %dma_start3A_369 : memref<1x128xi32, #tpu.memory_space<vmem>> -> memref<128xi32, #tpu.memory_space<vmem>>
        %dma_start3A_371 = arith.constant 0 : i32
        %dma_start3A_372 = arith.constant 0 : i32
        %dma_start3A_373 = tpu.memref_slice %arg8[%dma_start3A_371, %dma_start3A_372] : memref<10112x32xf32, #tpu.memory_space<vmem_shared>> -> memref<10112x32xf32, #tpu.memory_space<vmem_shared>>
        tpu.enqueue_indirect_dma source(%dma_start3A_373 : memref<10112x32xf32, #tpu.memory_space<vmem_shared>>) target(%arg16 : memref<128x32xf32, #tpu.memory_space<vmem>>) offsets(%dma_start3A_370 : memref<128xi32, #tpu.memory_space<vmem>>) semaphore(%arg11 : memref<!tpu.dma_semaphore, #tpu.memory_space<semaphore_mem>>)
      } else {
      }
      %mul3A_279 = arith.constant 4 : i32
      %mul3A_280 = arith.muli %mul3A_279, %scan3A_252 : i32
      %add3A_281 = arith.constant 1 : i32
      %add3A_282 = arith.addi %mul3A_280, %add3A_281 : i32
      %dma_wait3A_283 = arith.constant 0 : i32
      %dma_wait3A_284 = tpu.memref_slice %arg18[%add3A_282, %dma_wait3A_283] : memref<162x128xi32, #tpu.memory_space<vmem>> -> memref<1x128xi32, #tpu.memory_space<vmem>>
      %dma_wait3A_285 = tpu.memref_squeeze %dma_wait3A_284 : memref<1x128xi32, #tpu.memory_space<vmem>> -> memref<128xi32, #tpu.memory_space<vmem>>
      %dma_wait3A_286 = arith.constant 0 : i32
      %dma_wait3A_287 = arith.constant 0 : i32
      %dma_wait3A_288 = tpu.memref_slice %arg8[%dma_wait3A_286, %dma_wait3A_287] : memref<10112x32xf32, #tpu.memory_space<vmem_shared>> -> memref<10112x32xf32, #tpu.memory_space<vmem_shared>>
      tpu.wait_indirect_dma semaphore(%arg10 : memref<!tpu.dma_semaphore, #tpu.memory_space<semaphore_mem>>) src(%dma_wait3A_288 : memref<10112x32xf32, #tpu.memory_space<vmem_shared>>) dst(%arg15 : memref<128x32xf32, #tpu.memory_space<vmem>>)
      %dma_start3A_289 = arith.constant 0 : i32
      %dma_start3A_290 = tpu.memref_slice %arg7[%add3A_282, %dma_start3A_289] : memref<160x128xi32, #tpu.memory_space<vmem>> -> memref<1x128xi32, #tpu.memory_space<vmem>>
      %dma_start3A_291 = tpu.memref_squeeze %dma_start3A_290 : memref<1x128xi32, #tpu.memory_space<vmem>> -> memref<128xi32, #tpu.memory_space<vmem>>
      %dma_start3A_292 = arith.constant 0 : i32
      %dma_start3A_293 = arith.constant 0 : i32
      %dma_start3A_294 = tpu.memref_slice %arg23[%dma_start3A_292, %dma_start3A_293] : memref<10112x32xf32, #tpu.memory_space<vmem_shared>> -> memref<10112x32xf32, #tpu.memory_space<vmem_shared>>
      tpu.enqueue_indirect_dma source(%arg15 : memref<128x32xf32, #tpu.memory_space<vmem>>) target(%dma_start3A_294 : memref<10112x32xf32, #tpu.memory_space<vmem_shared>>) offsets(%dma_start3A_291 : memref<128xi32, #tpu.memory_space<vmem>>) semaphore(%arg20 : memref<!tpu.dma_semaphore, #tpu.memory_space<semaphore_mem>>) {add = true}
      %gt3A_295 = arith.constant 0 : i32
      %gt3A_296 = arith.cmpi sgt, %scan3A_252, %gt3A_295 : i32
      %convert_element_type3A_297 = arith.extui %gt3A_296 : i1 to i32
      %cond3A_298 = arith.constant 0 : i32
      %cond3A_299 = arith.cmpi ne, %convert_element_type3A_297, %cond3A_298 : i32
      scf.if %cond3A_299 {
        %dma_wait3A_366 = arith.constant 0 : i32
        %dma_wait3A_367 = tpu.memref_slice %arg7[%add3A_282, %dma_wait3A_366] : memref<160x128xi32, #tpu.memory_space<vmem>> -> memref<1x128xi32, #tpu.memory_space<vmem>>
        %dma_wait3A_368 = tpu.memref_squeeze %dma_wait3A_367 : memref<1x128xi32, #tpu.memory_space<vmem>> -> memref<128xi32, #tpu.memory_space<vmem>>
        %dma_wait3A_369 = arith.constant 0 : i32
        %dma_wait3A_370 = arith.constant 0 : i32
        %dma_wait3A_371 = tpu.memref_slice %arg23[%dma_wait3A_369, %dma_wait3A_370] : memref<10112x32xf32, #tpu.memory_space<vmem_shared>> -> memref<10112x32xf32, #tpu.memory_space<vmem_shared>>
        tpu.wait_indirect_dma semaphore(%arg22 : memref<!tpu.dma_semaphore, #tpu.memory_space<semaphore_mem>>) src(%arg17 : memref<128x32xf32, #tpu.memory_space<vmem>>) dst(%dma_wait3A_371 : memref<10112x32xf32, #tpu.memory_space<vmem_shared>>)
        %add3A_372 = arith.constant 2 : i32
        %add3A_373 = arith.addi %add3A_282, %add3A_372 : i32
        %dma_start3A_374 = arith.constant 0 : i32
        %dma_start3A_375 = tpu.memref_slice %arg18[%add3A_373, %dma_start3A_374] : memref<162x128xi32, #tpu.memory_space<vmem>> -> memref<1x128xi32, #tpu.memory_space<vmem>>
        %dma_start3A_376 = tpu.memref_squeeze %dma_start3A_375 : memref<1x128xi32, #tpu.memory_space<vmem>> -> memref<128xi32, #tpu.memory_space<vmem>>
        %dma_start3A_377 = arith.constant 0 : i32
        %dma_start3A_378 = arith.constant 0 : i32
        %dma_start3A_379 = tpu.memref_slice %arg8[%dma_start3A_377, %dma_start3A_378] : memref<10112x32xf32, #tpu.memory_space<vmem_shared>> -> memref<10112x32xf32, #tpu.memory_space<vmem_shared>>
        tpu.enqueue_indirect_dma source(%dma_start3A_379 : memref<10112x32xf32, #tpu.memory_space<vmem_shared>>) target(%arg17 : memref<128x32xf32, #tpu.memory_space<vmem>>) offsets(%dma_start3A_376 : memref<128xi32, #tpu.memory_space<vmem>>) semaphore(%arg12 : memref<!tpu.dma_semaphore, #tpu.memory_space<semaphore_mem>>)
      } else {
      }
      %eq3A_300 = arith.constant 0 : i32
      %eq3A_301 = arith.cmpi eq, %scan3A_252, %eq3A_300 : i32
      %convert_element_type3A_302 = arith.extui %eq3A_301 : i1 to i32
      %cond3A_303 = arith.constant 0 : i32
      %cond3A_304 = arith.cmpi ne, %convert_element_type3A_302, %cond3A_303 : i32
      scf.if %cond3A_304 {
        %add3A_366 = arith.constant 2 : i32
        %add3A_367 = arith.addi %add3A_282, %add3A_366 : i32
        %dma_start3A_368 = arith.constant 0 : i32
        %dma_start3A_369 = tpu.memref_slice %arg18[%add3A_367, %dma_start3A_368] : memref<162x128xi32, #tpu.memory_space<vmem>> -> memref<1x128xi32, #tpu.memory_space<vmem>>
        %dma_start3A_370 = tpu.memref_squeeze %dma_start3A_369 : memref<1x128xi32, #tpu.memory_space<vmem>> -> memref<128xi32, #tpu.memory_space<vmem>>
        %dma_start3A_371 = arith.constant 0 : i32
        %dma_start3A_372 = arith.constant 0 : i32
        %dma_start3A_373 = tpu.memref_slice %arg8[%dma_start3A_371, %dma_start3A_372] : memref<10112x32xf32, #tpu.memory_space<vmem_shared>> -> memref<10112x32xf32, #tpu.memory_space<vmem_shared>>
        tpu.enqueue_indirect_dma source(%dma_start3A_373 : memref<10112x32xf32, #tpu.memory_space<vmem_shared>>) target(%arg17 : memref<128x32xf32, #tpu.memory_space<vmem>>) offsets(%dma_start3A_370 : memref<128xi32, #tpu.memory_space<vmem>>) semaphore(%arg12 : memref<!tpu.dma_semaphore, #tpu.memory_space<semaphore_mem>>)
      } else {
      }
      %mul3A_305 = arith.constant 4 : i32
      %mul3A_306 = arith.muli %mul3A_305, %scan3A_252 : i32
      %add3A_307 = arith.constant 2 : i32
      %add3A_308 = arith.addi %mul3A_306, %add3A_307 : i32
      %dma_wait3A_309 = arith.constant 0 : i32
      %dma_wait3A_310 = tpu.memref_slice %arg18[%add3A_308, %dma_wait3A_309] : memref<162x128xi32, #tpu.memory_space<vmem>> -> memref<1x128xi32, #tpu.memory_space<vmem>>
      %dma_wait3A_311 = tpu.memref_squeeze %dma_wait3A_310 : memref<1x128xi32, #tpu.memory_space<vmem>> -> memref<128xi32, #tpu.memory_space<vmem>>
      %dma_wait3A_312 = arith.constant 0 : i32
      %dma_wait3A_313 = arith.constant 0 : i32
      %dma_wait3A_314 = tpu.memref_slice %arg8[%dma_wait3A_312, %dma_wait3A_313] : memref<10112x32xf32, #tpu.memory_space<vmem_shared>> -> memref<10112x32xf32, #tpu.memory_space<vmem_shared>>
      tpu.wait_indirect_dma semaphore(%arg11 : memref<!tpu.dma_semaphore, #tpu.memory_space<semaphore_mem>>) src(%dma_wait3A_314 : memref<10112x32xf32, #tpu.memory_space<vmem_shared>>) dst(%arg16 : memref<128x32xf32, #tpu.memory_space<vmem>>)
      %dma_start3A_315 = arith.constant 0 : i32
      %dma_start3A_316 = tpu.memref_slice %arg7[%add3A_308, %dma_start3A_315] : memref<160x128xi32, #tpu.memory_space<vmem>> -> memref<1x128xi32, #tpu.memory_space<vmem>>
      %dma_start3A_317 = tpu.memref_squeeze %dma_start3A_316 : memref<1x128xi32, #tpu.memory_space<vmem>> -> memref<128xi32, #tpu.memory_space<vmem>>
      %dma_start3A_318 = arith.constant 0 : i32
      %dma_start3A_319 = arith.constant 0 : i32
      %dma_start3A_320 = tpu.memref_slice %arg23[%dma_start3A_318, %dma_start3A_319] : memref<10112x32xf32, #tpu.memory_space<vmem_shared>> -> memref<10112x32xf32, #tpu.memory_space<vmem_shared>>
      tpu.enqueue_indirect_dma source(%arg16 : memref<128x32xf32, #tpu.memory_space<vmem>>) target(%dma_start3A_320 : memref<10112x32xf32, #tpu.memory_space<vmem_shared>>) offsets(%dma_start3A_317 : memref<128xi32, #tpu.memory_space<vmem>>) semaphore(%arg21 : memref<!tpu.dma_semaphore, #tpu.memory_space<semaphore_mem>>) {add = true}
      %dma_wait3A_321 = arith.constant 0 : i32
      %dma_wait3A_322 = tpu.memref_slice %arg7[%add3A_308, %dma_wait3A_321] : memref<160x128xi32, #tpu.memory_space<vmem>> -> memref<1x128xi32, #tpu.memory_space<vmem>>
      %dma_wait3A_323 = tpu.memref_squeeze %dma_wait3A_322 : memref<1x128xi32, #tpu.memory_space<vmem>> -> memref<128xi32, #tpu.memory_space<vmem>>
      %dma_wait3A_324 = arith.constant 0 : i32
      %dma_wait3A_325 = arith.constant 0 : i32
      %dma_wait3A_326 = tpu.memref_slice %arg23[%dma_wait3A_324, %dma_wait3A_325] : memref<10112x32xf32, #tpu.memory_space<vmem_shared>> -> memref<10112x32xf32, #tpu.memory_space<vmem_shared>>
      tpu.wait_indirect_dma semaphore(%arg19 : memref<!tpu.dma_semaphore, #tpu.memory_space<semaphore_mem>>) src(%arg14 : memref<128x32xf32, #tpu.memory_space<vmem>>) dst(%dma_wait3A_326 : memref<10112x32xf32, #tpu.memory_space<vmem_shared>>)
      %add3A_327 = arith.constant 2 : i32
      %add3A_328 = arith.addi %add3A_308, %add3A_327 : i32
      %dma_start3A_329 = arith.constant 0 : i32
      %dma_start3A_330 = tpu.memref_slice %arg18[%add3A_328, %dma_start3A_329] : memref<162x128xi32, #tpu.memory_space<vmem>> -> memref<1x128xi32, #tpu.memory_space<vmem>>
      %dma_start3A_331 = tpu.memref_squeeze %dma_start3A_330 : memref<1x128xi32, #tpu.memory_space<vmem>> -> memref<128xi32, #tpu.memory_space<vmem>>
      %dma_start3A_332 = arith.constant 0 : i32
      %dma_start3A_333 = arith.constant 0 : i32
      %dma_start3A_334 = tpu.memref_slice %arg8[%dma_start3A_332, %dma_start3A_333] : memref<10112x32xf32, #tpu.memory_space<vmem_shared>> -> memref<10112x32xf32, #tpu.memory_space<vmem_shared>>
      tpu.enqueue_indirect_dma source(%dma_start3A_334 : memref<10112x32xf32, #tpu.memory_space<vmem_shared>>) target(%arg14 : memref<128x32xf32, #tpu.memory_space<vmem>>) offsets(%dma_start3A_331 : memref<128xi32, #tpu.memory_space<vmem>>) semaphore(%arg9 : memref<!tpu.dma_semaphore, #tpu.memory_space<semaphore_mem>>)
      %mul3A_335 = arith.constant 4 : i32
      %mul3A_336 = arith.muli %mul3A_335, %scan3A_252 : i32
      %add3A_337 = arith.constant 3 : i32
      %add3A_338 = arith.addi %mul3A_336, %add3A_337 : i32
      %dma_wait3A_339 = arith.constant 0 : i32
      %dma_wait3A_340 = tpu.memref_slice %arg18[%add3A_338, %dma_wait3A_339] : memref<162x128xi32, #tpu.memory_space<vmem>> -> memref<1x128xi32, #tpu.memory_space<vmem>>
      %dma_wait3A_341 = tpu.memref_squeeze %dma_wait3A_340 : memref<1x128xi32, #tpu.memory_space<vmem>> -> memref<128xi32, #tpu.memory_space<vmem>>
      %dma_wait3A_342 = arith.constant 0 : i32
      %dma_wait3A_343 = arith.constant 0 : i32
      %dma_wait3A_344 = tpu.memref_slice %arg8[%dma_wait3A_342, %dma_wait3A_343] : memref<10112x32xf32, #tpu.memory_space<vmem_shared>> -> memref<10112x32xf32, #tpu.memory_space<vmem_shared>>
      tpu.wait_indirect_dma semaphore(%arg12 : memref<!tpu.dma_semaphore, #tpu.memory_space<semaphore_mem>>) src(%dma_wait3A_344 : memref<10112x32xf32, #tpu.memory_space<vmem_shared>>) dst(%arg17 : memref<128x32xf32, #tpu.memory_space<vmem>>)
      %dma_start3A_345 = arith.constant 0 : i32
      %dma_start3A_346 = tpu.memref_slice %arg7[%add3A_338, %dma_start3A_345] : memref<160x128xi32, #tpu.memory_space<vmem>> -> memref<1x128xi32, #tpu.memory_space<vmem>>
      %dma_start3A_347 = tpu.memref_squeeze %dma_start3A_346 : memref<1x128xi32, #tpu.memory_space<vmem>> -> memref<128xi32, #tpu.memory_space<vmem>>
      %dma_start3A_348 = arith.constant 0 : i32
      %dma_start3A_349 = arith.constant 0 : i32
      %dma_start3A_350 = tpu.memref_slice %arg23[%dma_start3A_348, %dma_start3A_349] : memref<10112x32xf32, #tpu.memory_space<vmem_shared>> -> memref<10112x32xf32, #tpu.memory_space<vmem_shared>>
      tpu.enqueue_indirect_dma source(%arg17 : memref<128x32xf32, #tpu.memory_space<vmem>>) target(%dma_start3A_350 : memref<10112x32xf32, #tpu.memory_space<vmem_shared>>) offsets(%dma_start3A_347 : memref<128xi32, #tpu.memory_space<vmem>>) semaphore(%arg22 : memref<!tpu.dma_semaphore, #tpu.memory_space<semaphore_mem>>) {add = true}
      %dma_wait3A_351 = arith.constant 0 : i32
      %dma_wait3A_352 = tpu.memref_slice %arg7[%add3A_338, %dma_wait3A_351] : memref<160x128xi32, #tpu.memory_space<vmem>> -> memref<1x128xi32, #tpu.memory_space<vmem>>
      %dma_wait3A_353 = tpu.memref_squeeze %dma_wait3A_352 : memref<1x128xi32, #tpu.memory_space<vmem>> -> memref<128xi32, #tpu.memory_space<vmem>>
      %dma_wait3A_354 = arith.constant 0 : i32
      %dma_wait3A_355 = arith.constant 0 : i32
      %dma_wait3A_356 = tpu.memref_slice %arg23[%dma_wait3A_354, %dma_wait3A_355] : memref<10112x32xf32, #tpu.memory_space<vmem_shared>> -> memref<10112x32xf32, #tpu.memory_space<vmem_shared>>
      tpu.wait_indirect_dma semaphore(%arg20 : memref<!tpu.dma_semaphore, #tpu.memory_space<semaphore_mem>>) src(%arg15 : memref<128x32xf32, #tpu.memory_space<vmem>>) dst(%dma_wait3A_356 : memref<10112x32xf32, #tpu.memory_space<vmem_shared>>)
      %add3A_357 = arith.constant 2 : i32
      %add3A_358 = arith.addi %add3A_338, %add3A_357 : i32
      %dma_start3A_359 = arith.constant 0 : i32
      %dma_start3A_360 = tpu.memref_slice %arg18[%add3A_358, %dma_start3A_359] : memref<162x128xi32, #tpu.memory_space<vmem>> -> memref<1x128xi32, #tpu.memory_space<vmem>>
      %dma_start3A_361 = tpu.memref_squeeze %dma_start3A_360 : memref<1x128xi32, #tpu.memory_space<vmem>> -> memref<128xi32, #tpu.memory_space<vmem>>
      %dma_start3A_362 = arith.constant 0 : i32
      %dma_start3A_363 = arith.constant 0 : i32
      %dma_start3A_364 = tpu.memref_slice %arg8[%dma_start3A_362, %dma_start3A_363] : memref<10112x32xf32, #tpu.memory_space<vmem_shared>> -> memref<10112x32xf32, #tpu.memory_space<vmem_shared>>
      tpu.enqueue_indirect_dma source(%dma_start3A_364 : memref<10112x32xf32, #tpu.memory_space<vmem_shared>>) target(%arg15 : memref<128x32xf32, #tpu.memory_space<vmem>>) offsets(%dma_start3A_361 : memref<128xi32, #tpu.memory_space<vmem>>) semaphore(%arg10 : memref<!tpu.dma_semaphore, #tpu.memory_space<semaphore_mem>>)
      %scan3A_365 = arith.constant 0 : i32
      scf.yield %scan3A_365 : i32
    }
    %scan3A_222 = arith.constant 40 : i32
    %dma_wait3A_223 = arith.constant 0 : i32
    %dma_wait3A_224 = arith.constant 0 : i32
    %dma_wait3A_225 = tpu.memref_slice %arg7[%dma_wait3A_223, %dma_wait3A_224] : memref<160x128xi32, #tpu.memory_space<vmem>> -> memref<1x128xi32, #tpu.memory_space<vmem>>
    %dma_wait3A_226 = tpu.memref_squeeze %dma_wait3A_225 : memref<1x128xi32, #tpu.memory_space<vmem>> -> memref<128xi32, #tpu.memory_space<vmem>>
    %dma_wait3A_227 = arith.constant 0 : i32
    %dma_wait3A_228 = arith.constant 0 : i32
    %dma_wait3A_229 = tpu.memref_slice %arg23[%dma_wait3A_227, %dma_wait3A_228] : memref<10112x32xf32, #tpu.memory_space<vmem_shared>> -> memref<10112x32xf32, #tpu.memory_space<vmem_shared>>
    tpu.wait_indirect_dma semaphore(%arg21 : memref<!tpu.dma_semaphore, #tpu.memory_space<semaphore_mem>>) src(%arg16 : memref<128x32xf32, #tpu.memory_space<vmem>>) dst(%dma_wait3A_229 : memref<10112x32xf32, #tpu.memory_space<vmem_shared>>)
    %dma_wait3A_230 = arith.constant 0 : i32
    %dma_wait3A_231 = arith.constant 0 : i32
    %dma_wait3A_232 = tpu.memref_slice %arg18[%dma_wait3A_230, %dma_wait3A_231] : memref<162x128xi32, #tpu.memory_space<vmem>> -> memref<1x128xi32, #tpu.memory_space<vmem>>
    %dma_wait3A_233 = tpu.memref_squeeze %dma_wait3A_232 : memref<1x128xi32, #tpu.memory_space<vmem>> -> memref<128xi32, #tpu.memory_space<vmem>>
    %dma_wait3A_234 = arith.constant 0 : i32
    %dma_wait3A_235 = arith.constant 0 : i32
    %dma_wait3A_236 = tpu.memref_slice %arg8[%dma_wait3A_234, %dma_wait3A_235] : memref<10112x32xf32, #tpu.memory_space<vmem_shared>> -> memref<10112x32xf32, #tpu.memory_space<vmem_shared>>
    tpu.wait_indirect_dma semaphore(%arg9 : memref<!tpu.dma_semaphore, #tpu.memory_space<semaphore_mem>>) src(%dma_wait3A_236 : memref<10112x32xf32, #tpu.memory_space<vmem_shared>>) dst(%arg14 : memref<128x32xf32, #tpu.memory_space<vmem>>)
    %dma_wait3A_237 = arith.constant 0 : i32
    %dma_wait3A_238 = arith.constant 0 : i32
    %dma_wait3A_239 = tpu.memref_slice %arg7[%dma_wait3A_237, %dma_wait3A_238] : memref<160x128xi32, #tpu.memory_space<vmem>> -> memref<1x128xi32, #tpu.memory_space<vmem>>
    %dma_wait3A_240 = tpu.memref_squeeze %dma_wait3A_239 : memref<1x128xi32, #tpu.memory_space<vmem>> -> memref<128xi32, #tpu.memory_space<vmem>>
    %dma_wait3A_241 = arith.constant 0 : i32
    %dma_wait3A_242 = arith.constant 0 : i32
    %dma_wait3A_243 = tpu.memref_slice %arg23[%dma_wait3A_241, %dma_wait3A_242] : memref<10112x32xf32, #tpu.memory_space<vmem_shared>> -> memref<10112x32xf32, #tpu.memory_space<vmem_shared>>
    tpu.wait_indirect_dma semaphore(%arg22 : memref<!tpu.dma_semaphore, #tpu.memory_space<semaphore_mem>>) src(%arg17 : memref<128x32xf32, #tpu.memory_space<vmem>>) dst(%dma_wait3A_243 : memref<10112x32xf32, #tpu.memory_space<vmem_shared>>)
    %dma_wait3A_244 = arith.constant 0 : i32
    %dma_wait3A_245 = arith.constant 0 : i32
    %dma_wait3A_246 = tpu.memref_slice %arg18[%dma_wait3A_244, %dma_wait3A_245] : memref<162x128xi32, #tpu.memory_space<vmem>> -> memref<1x128xi32, #tpu.memory_space<vmem>>
    %dma_wait3A_247 = tpu.memref_squeeze %dma_wait3A_246 : memref<1x128xi32, #tpu.memory_space<vmem>> -> memref<128xi32, #tpu.memory_space<vmem>>
    %dma_wait3A_248 = arith.constant 0 : i32
    %dma_wait3A_249 = arith.constant 0 : i32
    %dma_wait3A_250 = tpu.memref_slice %arg8[%dma_wait3A_248, %dma_wait3A_249] : memref<10112x32xf32, #tpu.memory_space<vmem_shared>> -> memref<10112x32xf32, #tpu.memory_space<vmem_shared>>
    tpu.wait_indirect_dma semaphore(%arg10 : memref<!tpu.dma_semaphore, #tpu.memory_space<semaphore_mem>>) src(%dma_wait3A_250 : memref<10112x32xf32, #tpu.memory_space<vmem_shared>>) dst(%arg15 : memref<128x32xf32, #tpu.memory_space<vmem>>)
    %barrier3A_251 = arith.constant 0 : index
    tpu.barrier barrier_id(%barrier3A_251)
    "tpu.region"() ({
      %run_scoped3A = tpu.sem_alloc : memref<!tpu.dma_semaphore, #tpu.memory_space<semaphore_mem>>
      %dma_start3A_252 = arith.constant 0 : i32
      %dma_start3A_253 = tpu.memref_slice %arg5[%add3A_184, %mul3A_0, %dma_start3A_252] : memref<4x10112x32xf32, #tpu.memory_space<hbm>> -> memref<1x632x32xf32, #tpu.memory_space<hbm>>
      %dma_start3A_254 = tpu.memref_squeeze %dma_start3A_253 : memref<1x632x32xf32, #tpu.memory_space<hbm>> -> memref<632x32xf32, #tpu.memory_space<hbm>>
      %dma_start3A_255 = arith.constant 0 : i32
      %dma_start3A_256 = tpu.memref_slice %arg23[%mul3A_0, %dma_start3A_255] : memref<10112x32xf32, #tpu.memory_space<vmem_shared>> -> memref<632x32xf32, #tpu.memory_space<vmem_shared>>
      tpu.enqueue_dma source(%dma_start3A_256 : memref<632x32xf32, #tpu.memory_space<vmem_shared>>) target(%dma_start3A_254 : memref<632x32xf32, #tpu.memory_space<hbm>>) target_semaphore(%run_scoped3A : memref<!tpu.dma_semaphore, #tpu.memory_space<semaphore_mem>>)
      %dma_wait3A_257 = arith.constant 0 : i32
      %dma_wait3A_258 = tpu.memref_slice %arg5[%add3A_184, %mul3A_0, %dma_wait3A_257] : memref<4x10112x32xf32, #tpu.memory_space<hbm>> -> memref<1x632x32xf32, #tpu.memory_space<hbm>>
      %dma_wait3A_259 = tpu.memref_squeeze %dma_wait3A_258 : memref<1x632x32xf32, #tpu.memory_space<hbm>> -> memref<632x32xf32, #tpu.memory_space<hbm>>
      %dma_wait3A_260 = arith.constant 0 : i32
      %dma_wait3A_261 = tpu.memref_slice %arg23[%mul3A_0, %dma_wait3A_260] : memref<10112x32xf32, #tpu.memory_space<vmem_shared>> -> memref<632x32xf32, #tpu.memory_space<vmem_shared>>
      tpu.wait_dma2 semaphore(%run_scoped3A : memref<!tpu.dma_semaphore, #tpu.memory_space<semaphore_mem>>) src(%dma_wait3A_261 : memref<632x32xf32, #tpu.memory_space<vmem_shared>>) dst(%dma_wait3A_259 : memref<632x32xf32, #tpu.memory_space<hbm>>)
      tpu.yield
    }) : () -> ()
    return
  }
}

module attributes {stable_mosaic.version = 14 : i64} {
  func.func @_combine_body(%arg0: i32, %arg1: memref<4x2000x32xf32, #tpu.memory_space<vmem>>, %arg2: memref<2000x16xf32, #tpu.memory_space<vmem>>, %arg3: memref<2000x128xf32, #tpu.memory_space<vmem>>) attributes {dimension_semantics = [#tpu.dimension_semantics<arbitrary>], iteration_bounds = array<i64: 5>, scalar_prefetch = 0 : i64, scratch_operands = 0 : i64, tpu.core_type = #tpu.core_type<tc>, window_params = [{transform_indices = @transform_0, window_bounds = array<i64: 4, 2000, 32>}, {transform_indices = @transform_1, window_bounds = array<i64: 2000, 16>}, {transform_indices = @transform_2, window_bounds = array<i64: 2000, 128>}]} {
    %get3A = arith.constant 0 : index
    %get3A_0 = arith.constant 0 : index
    %get3A_1 = vector.load %arg2[%get3A, %get3A_0] : memref<2000x16xf32, #tpu.memory_space<vmem>>, vector<2000x16xf32>
    %reduce_sum3A = arith.constant dense<0.000000e+00> : vector<2000xf32>
    %reduce_sum3A_2 = vector.multi_reduction <add>, %get3A_1, %reduce_sum3A [1] : vector<2000x16xf32> to vector<2000xf32>
    %max3A = arith.constant 1.000000e+00 : f32
    %max3A_3 = vector.broadcast %max3A : f32 to vector<2000xf32>
    %max3A_4 = arith.maximumf %reduce_sum3A_2, %max3A_3 : vector<2000xf32>
    %broadcast_in_dim3A = vector.shape_cast %max3A_4 : vector<2000xf32> to vector<2000x1xf32>
    %div3A = arith.constant 1.000000e+00 : f32
    %div3A_5 = vector.broadcast %div3A : f32 to vector<2000x1xf32>
    %div3A_6 = arith.divf %div3A_5, %broadcast_in_dim3A : vector<2000x1xf32>
    %get3A_7 = arith.constant 0 : index
    %get3A_8 = arith.constant 0 : index
    %get3A_9 = arith.constant 0 : index
    %get3A_10 = vector.load %arg1[%get3A_7, %get3A_8, %get3A_9] : memref<4x2000x32xf32, #tpu.memory_space<vmem>>, vector<1x2000x32xf32>
    %get3A_11 = vector.shape_cast %get3A_10 : vector<1x2000x32xf32> to vector<2000x32xf32>
    %mul3A = vector.broadcast %div3A_6 : vector<2000x1xf32> to vector<2000x32xf32>
    %mul3A_12 = arith.mulf %get3A_11, %mul3A : vector<2000x32xf32>
    %swap3A = arith.constant 0 : index
    %swap3A_13 = arith.constant 0 : index
    %swap3A_14 = vector.load %arg3[%swap3A, %swap3A_13] : memref<2000x128xf32, #tpu.memory_space<vmem>>, vector<2000x32xf32>
    tpu.vector_store %arg3[%swap3A, %swap3A_13], %mul3A_12 {strides = array<i32>} : memref<2000x128xf32, #tpu.memory_space<vmem>>, vector<2000x32xf32>,
    %get3A_15 = arith.constant 1 : index
    %get3A_16 = arith.constant 0 : index
    %get3A_17 = arith.constant 0 : index
    %get3A_18 = vector.load %arg1[%get3A_15, %get3A_16, %get3A_17] : memref<4x2000x32xf32, #tpu.memory_space<vmem>>, vector<1x2000x32xf32>
    %get3A_19 = vector.shape_cast %get3A_18 : vector<1x2000x32xf32> to vector<2000x32xf32>
    %mul3A_20 = vector.broadcast %div3A_6 : vector<2000x1xf32> to vector<2000x32xf32>
    %mul3A_21 = arith.mulf %get3A_19, %mul3A_20 : vector<2000x32xf32>
    %swap3A_22 = arith.constant 0 : index
    %swap3A_23 = arith.constant 32 : index
    %swap3A_24 = vector.load %arg3[%swap3A_22, %swap3A_23] : memref<2000x128xf32, #tpu.memory_space<vmem>>, vector<2000x32xf32>
    tpu.vector_store %arg3[%swap3A_22, %swap3A_23], %mul3A_21 {strides = array<i32>} : memref<2000x128xf32, #tpu.memory_space<vmem>>, vector<2000x32xf32>,
    %get3A_25 = arith.constant 2 : index
    %get3A_26 = arith.constant 0 : index
    %get3A_27 = arith.constant 0 : index
    %get3A_28 = vector.load %arg1[%get3A_25, %get3A_26, %get3A_27] : memref<4x2000x32xf32, #tpu.memory_space<vmem>>, vector<1x2000x32xf32>
    %get3A_29 = vector.shape_cast %get3A_28 : vector<1x2000x32xf32> to vector<2000x32xf32>
    %mul3A_30 = vector.broadcast %div3A_6 : vector<2000x1xf32> to vector<2000x32xf32>
    %mul3A_31 = arith.mulf %get3A_29, %mul3A_30 : vector<2000x32xf32>
    %swap3A_32 = arith.constant 0 : index
    %swap3A_33 = arith.constant 64 : index
    %swap3A_34 = vector.load %arg3[%swap3A_32, %swap3A_33] : memref<2000x128xf32, #tpu.memory_space<vmem>>, vector<2000x32xf32>
    tpu.vector_store %arg3[%swap3A_32, %swap3A_33], %mul3A_31 {strides = array<i32>} : memref<2000x128xf32, #tpu.memory_space<vmem>>, vector<2000x32xf32>,
    %get3A_35 = arith.constant 3 : index
    %get3A_36 = arith.constant 0 : index
    %get3A_37 = arith.constant 0 : index
    %get3A_38 = vector.load %arg1[%get3A_35, %get3A_36, %get3A_37] : memref<4x2000x32xf32, #tpu.memory_space<vmem>>, vector<1x2000x32xf32>
    %get3A_39 = vector.shape_cast %get3A_38 : vector<1x2000x32xf32> to vector<2000x32xf32>
    %mul3A_40 = vector.broadcast %div3A_6 : vector<2000x1xf32> to vector<2000x32xf32>
    %mul3A_41 = arith.mulf %get3A_39, %mul3A_40 : vector<2000x32xf32>
    %swap3A_42 = arith.constant 0 : index
    %swap3A_43 = arith.constant 96 : index
    %swap3A_44 = vector.load %arg3[%swap3A_42, %swap3A_43] : memref<2000x128xf32, #tpu.memory_space<vmem>>, vector<2000x32xf32>
    tpu.vector_store %arg3[%swap3A_42, %swap3A_43], %mul3A_41 {strides = array<i32>} : memref<2000x128xf32, #tpu.memory_space<vmem>>, vector<2000x32xf32>,
    return
  }
  func.func @transform_0(%arg0: i32) -> (i32, i32, i32) {
    %c0_i32 = arith.constant 0 : i32
    %c0_i32_0 = arith.constant 0 : i32
    %c0_i32_1 = arith.constant 0 : i32
    return %c0_i32, %arg0, %c0_i32_0 : i32, i32, i32
  }
  func.func @transform_1(%arg0: i32) -> (i32, i32) {
    %c0_i32 = arith.constant 0 : i32
    %c0_i32_0 = arith.constant 0 : i32
    return %arg0, %c0_i32 : i32, i32
  }
  func.func @transform_2(%arg0: i32) -> (i32, i32) {
    %c0_i32 = arith.constant 0 : i32
    %c0_i32_0 = arith.constant 0 : i32
    return %arg0, %c0_i32 : i32, i32
  }
}

</mosaic_0001>

<sc_bundles>
// kernel: kernel.4.cloned.1.call-start
scs
__scs_entry_jumppad:
0x0: {  	(pc) =	sbr.rel $0x88, $3  }
0x1: {  	(tag) =	ssettag $0x0;
	lr =	simm.s32 $0x1  }
0x2: {  	[smem:$0x3F9F] =	sst lr;
	_ =	strace $0xD0000000  }
0x3: {  	_ = 	snop  }
0x4: {  	_ = 	snop  }
0x5: {  	_ = 	snop  }
0x6: {  	_ = 	snop  }
0x7: {  	_ = 	snop  }
__scs_overlays_trampoline_lowered:
0x8: {  	[smem:$0x3FAE] =	sst s0  }
0x9: {  	[smem:$0x3FAF] =	sst s1  }
0xa: {  	[smem:$0x3FB0] =	sst s2  }
0xb: {  	[smem:$0x3FB1] =	sst s3  }
0xc: {  	[smem:$0x3FB2] =	sst s4  }
0xd: {  	[smem:$0x3FB3] =	sst s5  }
0xe: {  	[smem:$0x3FB4] =	sst s6  }
0xf: {  	[smem:$0x3FB5] =	sst s7  }
0x10: {  	[smem:$0x3FB6] =	sst s8  }
0x11: {  	[smem:$0x3FB7] =	sst s9;
	s0 =	simm.s32 @!p0 $0x0  }
0x12: {  	s1 =	sld [smem:$0x3F9D];
	s0 =	simm.s32 @p0 $0x1  }
0x13: {  	[smem:$0x3FB8] =	sst s0;
	s0 =	simm.s32 @!p1 $0x0  }
0x14: {  	s2 =	sld [smem:$0x3F9C];
	s0 =	simm.s32 @p1 $0x1  }
0x15: {  	[smem:$0x3FB9] =	sst s0;
	s0 =	simm.s32 @!p2 $0x0  }
0x16: {  	s3 =	sld [smem:$0x3FDB];
	s0 =	simm.s32 @p2 $0x1  }
0x17: {  	s4 =	simm.s32 $0x1BF5;
	[smem:$0x3FBB] =	sst s0  }
0x18: {  	s0 =	sld [smem:$0x3F9E];
	_ =	swait.ge [sflag:s4], $0x0  }
0x19: {  	s7 =	sld [smem:$0x3F9F]  }
0x1a: {  	s8 =	sadd.s32 $0xFFFFE003, lr  }
0x1b: {  	s9 =	sadd.s32 $0xFFFFFEF7, lr;
	s5 =	simm.s32 $0xFFFFFFFF;
	p2 =	slt.u32 s8, $0xFFFFF086  }
0x1c: {  	p1 =	slt.u32 s9, $0xF7A;
	s5 =	simm.s32 @!p2 $0x0  }
0x1d: {  	s5 =	simm.s32 @p1 $0x1;
	p0 =	seq.s32 s7, s2  }
0x1e: {  	s7 =	smul.u32 @!p0 $0xF7A, s2;
	p2 =	seq.s32 @!p0 s5, $0x0  }
0x1f: {  	s9 =	smul.u32 $0xF7A, s1;
	s8 =	simm.s32 @!p0 $0x1BF5;
	p2 =	por !p2, p0  }
0x20: {  	[sflag:s8] =	ssyncset.s32 @!p0 $0xFFFFF086;
	s6 =	sadd.s32 @!p0 s3, s7;
	s7 =	simm.s32 @!p0 $0x108  }
0x21: {  	s3 =	sadd.s32 s3, s9;
	s6 =	sadd.s32 @!p0 $0x88, s6;
	s7 =	simm.s32 @p2 $0x1082  }
0x22: {  	[simem:s7], [sflag:s8] =	dma.local @!p0 [hbm:s6], $0xF7A  }
0x23: {  	s9 =	sor.u32 $0xD0000000, s2;
	s6 =	simm.s32 $0x108;
	_ =	swait.ge @!p0 [sflag:s8], $0x0  }
0x24: {  	s3 =	sadd.s32 $0x88, s3;
	s6 =	simm.s32 @!p1 $0x1082;
	[sflag:s4] =	ssyncset.s32 $0xFFFFF086  }
0x25: {  	[simem:s6], [sflag:s4] =	dma.local [hbm:s3], $0xF7A  }
0x26: {  	[smem:$0x3F9F] =	sst s1;
	(tag) =	ssettag s2;
	_ =	strace s9  }
0x27: {  	s1 =	sld [smem:$0x3FAF]  }
0x28: {  	s2 =	sld [smem:$0x3FB0]  }
0x29: {  	s4 =	sld [smem:$0x3FB2]  }
0x2a: {  	p0 =	seq.s32 s5, $0x0;
	s5 =	sld [smem:$0x3FB3]  }
0x2b: {  	s6 =	sld [smem:$0x3FB4]  }
0x2c: {  	s7 =	sld [smem:$0x3FB5]  }
0x2d: {  	s3 =	simm.s32 $0x108;
	s8 =	sld [smem:$0x3FB6]  }
0x2e: {  	s3 =	simm.s32 @!p0 $0x1082;
	s9 =	sld [smem:$0x3FB7]  }
0x2f: {  	lr =	sadd.s32 s0, s3;
	s0 =	sld [smem:$0x3FAE]  }
0x30: {  	s3 =	sld [smem:$0x3FB1]  }
0x31: {  	[smem:$0x3FBA] =	sst s10  }
0x32: {  	s10 =	sld [smem:$0x3FB8];
	_ =	sdelay $0x3  }
0x33: {  	p0 =	seq.s32 s10, $0x1;
	s10 =	sld [smem:$0x3FBA];
	_ =	sdelay $0x3  }
0x34: {  	[smem:$0x3FBA] =	sst s10  }
0x35: {  	s10 =	sld [smem:$0x3FB9];
	_ =	sdelay $0x3  }
0x36: {  	p1 =	seq.s32 s10, $0x1;
	s10 =	sld [smem:$0x3FBA];
	_ =	sdelay $0x3  }
0x37: {  	[smem:$0x3FBA] =	sst s10  }
0x38: {  	s10 =	sld [smem:$0x3FBB]  }
0x39: {  	_ = 	snop;
	(pc) =	sbr.ind lr, $3  }
0x3a: {  	_ = 	snop  }
0x3b: {  	_ = 	snop  }
0x3c: {  	p2 =	seq.s32 s10, $0x1;
	s10 =	sld [smem:$0x3FBA]  }
0x3d: {  	_ =	shalt  }
0x3e: {  	_ =	shalt  }
0x3f: {  	_ =	shalt  }
0x40: {  	_ =	shalt  }
0x41: {  	_ =	shalt  }
0x42: {  	_ =	shalt  }
0x43: {  	_ =	shalt  }
0x44: {  	_ =	shalt  }
0x45: {  	_ =	shalt  }
0x46: {  	_ =	shalt  }
0x47: {  	_ =	shalt  }
0x48: {  	_ =	shalt  }
0x49: {  	_ =	shalt  }
0x4a: {  	_ =	shalt  }
0x4b: {  	_ =	shalt  }
0x4c: {  	_ =	shalt  }
0x4d: {  	_ =	shalt  }
0x4e: {  	_ =	shalt  }
0x4f: {  	_ =	shalt  }
0x50: {  	_ =	shalt  }
0x51: {  	_ =	shalt  }
0x52: {  	_ =	shalt  }
0x53: {  	_ =	shalt  }
0x54: {  	_ =	shalt  }
0x55: {  	_ =	shalt  }
0x56: {  	_ =	shalt  }
0x57: {  	_ =	shalt  }
0x58: {  	_ =	shalt  }
0x59: {  	_ =	shalt  }
0x5a: {  	_ =	shalt  }
0x5b: {  	_ =	shalt  }
0x5c: {  	_ =	shalt  }
0x5d: {  	_ =	shalt  }
0x5e: {  	_ =	shalt  }
0x5f: {  	_ =	shalt  }
0x60: {  	_ =	shalt  }
0x61: {  	_ =	shalt  }
0x62: {  	_ =	shalt  }
0x63: {  	_ =	shalt  }
0x64: {  	_ =	shalt  }
0x65: {  	_ =	shalt  }
0x66: {  	_ =	shalt  }
0x67: {  	_ =	shalt  }
0x68: {  	_ =	shalt  }
0x69: {  	_ =	shalt  }
0x6a: {  	_ =	shalt  }
0x6b: {  	_ =	shalt  }
0x6c: {  	_ =	shalt  }
0x6d: {  	_ =	shalt  }
0x6e: {  	_ =	shalt  }
0x6f: {  	_ =	shalt  }
0x70: {  	_ =	shalt  }
0x71: {  	_ =	shalt  }
0x72: {  	_ =	shalt  }
0x73: {  	_ =	shalt  }
0x74: {  	_ =	shalt  }
0x75: {  	_ =	shalt  }
0x76: {  	_ =	shalt  }
0x77: {  	_ =	shalt  }
0x78: {  	_ =	shalt  }
0x79: {  	_ =	shalt  }
0x7a: {  	_ =	shalt  }
0x7b: {  	_ =	shalt  }
0x7c: {  	_ =	shalt  }
0x7d: {  	_ =	shalt  }
0x7e: {  	_ =	shalt  }
0x7f: {  	_ =	shalt  }
0x80: {  	_ =	shalt  }
0x81: {  	_ =	shalt  }
0x82: {  	_ =	shalt  }
0x83: {  	_ =	shalt  }
0x84: {  	_ =	shalt  }
0x85: {  	_ =	shalt  }
0x86: {  	_ =	shalt  }
0x87: {  	_ =	shalt  }
.Lfunc_end0:
.L_simem_size_0:
called_computation_lowered:
.L_overlay_start_0:
0x88: {  	s2 =	sld [smem:$0x3FD9]  }
0x89: {  	s3 =	sld [smem:$0x3FFE];
	_ =	sdelay $0x1  }
0x8a: {  	s1 =	srdreg.scid  }
0x8b: {  	s0 =	sand.u32 $0x1, s1  }
0x8c: {  	s17 =	sshll.u32 s0, $0xA;
	s2 =	sadd.s32 s3, s2  }
0x8d: {  	s2 =	sadd.s32 s2, s17  }
0x8e: {  	[smem:$0x3FC6] =	sst s2  }
0x8f: {  	_ = 	snop  }
0x90: {  	s2 =	sld [smem:$0x3FC9]  }
0x91: {  	s18 =	sld [smem:$0x3FD0];
	(tm) =	ssettm $0x1  }
0x92: {  	s4 =	sld [smem:$0x3FFB];
	_ =	sdelay $0x3  }
0x93: {  	_ =	strace s4  }
0x94: {  	s4 =	sld [smem:$0x3FFC];
	_ =	sdelay $0x3  }
0x95: {  	_ =	strace s4  }
0x96: {  	s4 =	sld [smem:$0x3FFD];
	_ =	sdelay $0x3  }
0x97: {  	_ =	strace s4  }
0x98: {  	_ =	strace $0x8FFFFFFF  }
0x99: {  	s19 =	sld [smem:$0x3FDB];
	_ =	sdelay $0x1  }
0x9a: {  	s5 =	simm.s32 $_scs_section_size  }
0x9b: {  	s6 =	simm.s32 $_size__tile_overlayer_lowered;
	s7 =	simm.s32 $_tile_overlayer_lowered  }
0x9c: {  	s22 =	simm.s32 $0x1BFF;
	s21 =	sshll.u32 s7, $0x1;
	s4 =	sadd.s32 s5, s19  }
0x9d: {  	s8 =	simm.s32 $0x0;
	s20 =	sshll.u32 s6, $0x1;
	s6 =	sadd.s32 s21, s4  }
0x9e: {  	[timem:s8], [sflag:s22] =	dma.local [hbm:s6], s20  }
0x9f: {  	_ =	swait.ge [sflag:s22], s20  }
0xa0: {  	s5 =	ssub.s32 $0x0, s20;
	[sflag:s22] =	ssyncset.done $0x0  }
0xa1: {  	[sflag:s22] =	ssyncadd.s32 s5;
	_ =	sdelay $0x1  }
0xa2: {  	s23 =	simm.s32 $0x1B8B  }
0xa3: {  	_ =	swait.ge [sflag:s23], $0x1  }
0xa4: {  	[sflag:s23] =	ssyncset.done $0x0  }
0xa5: {  	s25 =	simm.s32 $0x1B8E;
	s24 =	sld [smem:$0x3FFE];
	[sflag:s23] =	ssyncadd.s32 $0xFFFFFFFF  }
0xa6: {  	s26 =	simm.s32 $execute0_lowered;
	[smem:$0x3FD2] =	sst s25  }
0xa7: {  	s6 =	sshll.u32 s26, $0x1;
	_ =	strace $0x80000046;
	[dreg:$0x1] =	wrdreg $0xFFFFFFFF  }
0xa8: {  	s28 =	simm.s32 $_size_execute0_lowered;
	s4 =	sadd.s32 s4, s6;
	[dreg:$0x0] =	wrdreg $0x0  }
0xa9: {  	s6 =	sshll.u32 s28, $0x1;
	[dreg:$0x2] =	wrdreg s4  }
0xaa: {  	[dreg:$0x3] =	wrdreg s6  }
0xab: {  	[dreg:$0x4] =	wrdreg $0xC0  }
0xac: {  	_ =	task [dreg:s8], $0x5FFFF  }
0xad: {  	[dreg:$0x1] =	wrdreg $0xFFFFFFFF  }
0xae: {  	[dreg:$0x0] =	wrdreg $0x60  }
0xaf: {  	[dreg:$0x2] =	wrdreg s2  }
0xb0: {  	[dreg:$0x3] =	wrdreg s18  }
0xb1: {  	[dreg:$0x4] =	wrdreg s24  }
0xb2: {  	[dreg:$0x5] =	wrdreg $0x50000  }
0xb3: {  	[dreg:$0x6] =	wrdreg $0x157800  }
0xb4: {  	[dreg:$0x7] =	wrdreg $0x9  }
0xb5: {  	_ =	task.clear_ibuf [dreg:s8], $0x8FFFF;
	_ =	strace $0x90000046  }
0xb6: {  	s29 =	simm.s32 $0x9;
	_ =	strace $0x80000048  }
0xb7: {  	_ =	swait.ge [sflag:s29], $0x1  }
0xb8: {  	[sflag:s29] =	ssyncadd.s32 $0xFFFFFFFF  }
0xb9: {  	_ =	strace $0x90000048  }
0xba: {  	_ =	sfence  }
0xbb: {  	s30 =	sld [smem:$0x0];
	_ =	sdelay $0x2  }
0xbc: {  	s31 =	sshll.u32 s1, $0xD;
	s1 =	sshrl.u32 s1, $0x2  }
0xbd: {  	s3 =	sand.u32 $0x4000, s31;
	s1 =	sadd.s32 s1, s30  }
0xbe: {  	s0 =	sor.u32 s3, s0;
	s1 =	sshll.u32 s1, $0x11  }
0xbf: {  	s0 =	sor.u32 s1, s0  }
0xc0: {  	s0 =	sadd.s32 $0x8F2B, s0  }
0xc1: {  	[sflag:s0] =	ssyncadd.remote.s32 $0x1  }
0xc2: {  	_ =	sfence.sel $0xFFFF  }
0xc3: {  	[dreg:$0x0] =	wrdreg $0xFFFFFFFF;
	(pc) =	sbr.abs _section_cstart, $3  }
0xc4: {  	[dreg:$0x1] =	wrdreg $0xFFFFFFFF  }
0xc5: {  	_ =	task.clear_ibuf [dreg:s8], $0x2FFFF;
	_ =	strace $0x9FFFFFFF  }
0xc6: {  	(tm) =	ssettm $0x7FFFFFFF  }
0xc7: {  	_ =	shalt  }
tec
execute0_lowered:
.L_overlay_start_1:
0x0: {  	(tag) =	ssettag $0x1  }
0x1: {  	s0 =	rddreg [dreg:$0x0]  }
0x2: {  	s1 =	rddreg [dreg:$0x1]  }
0x3: {  	s5 =	rddreg [dreg:$0x2]  }
0x4: {  	s2 =	rddreg [dreg:$0x3];
	s11 =	stileid.u32  }
0x5: {  	s3 =	rddreg [dreg:$0x4];
	s4 =	simm.s32 $0x0;
	s6 =	smul.u32 $0xA00, s11  }
0x6: {  	s7 =	srdreg.scid;
	s28 =	simm.s32 $0x10;
	s8 =	smul.u32 $0x4F0, s11  }
0x7: {  	s29 =	simm.s32 $0xD680;
	s30 =	simm.s32 $0x9F00;
	s26 =	smul.u32 $0x13880, s11  }
0x8: {  	s31 =	simm.s32 $0x2;
	[smem:$0x7FF] =	sst s4;
	s18 =	smul.u32 $0x13C00, s11  }
0x9: {  	s7 =	sand.u32 $0x1, s7;
	s14 =	sadd.s32 $0xA200, s5;
	s15 =	smul.u32 $0x4F00, s11  }
0xa: {  	_ =	strace $0x80000047;
	s10 =	ssub.s32 $0x2, s7;
	s17 =	sshll.u32 s7, $0x6  }
0xb: {  	p0 =	sne.s32 s7, $0x0;
	s9 =	sadd.s32 s6, s5;
	s5 =	sadd.s32 s8, s5  }
0xc: {  	s25 =	sshrl.u32 s10, $0x1;
	s1 =	sadd.s32 s1, s6;
	s19 =	sshrl.u32 s26, $0x2  }
0xd: {  	s6 =	sor.u32 s17, s26;
	s20 =	sshrl.u32 s18, $0x2;
	s17 =	sshllo.u32 s7, $0x1  }
0xe: {  	s8 =	ssub.s32 s10, s25;
	[dreg:$0x6] =	wrdreg s1;
	s16 =	sadd.s32 $0x200, s9  }
0xf: {  	s10 =	sadd.s32 s19, s2;
	s6 =	sshrl.u32 s6, $0x3;
	s9 =	sadd.s32 s15, s3  }
0x10: {  	s21 =	sadd.s32 s20, s3;
	s18 =	smul.u32 $0x4F000, s17;
	s23 =	sshll.u32 s17, $0x5  }
0x11: {  	s5 =	sadd.s32 $0x31A00, s5;
	s19 =	simm.s32 $0x10680;
	[dreg:$0x7] =	wrdreg s16  }
0x12: {  	s20 =	simm.s32 $0x9;
	[dreg:$0x8] =	wrdreg s10;
	s6 =	sadd.s32 s0, s6  }
0x13: {  	s10 =	sadd.s32 $0x1000, s21;
	s16 =	smul.u32 $0x9E000, s7;
	s11 =	sadd.s32 $0x2000, s21  }
0x14: {  	s12 =	sadd.s32 $0x3000, s21;
	s13 =	sadd.s32 $0x4000, s21;
	s1 =	sor.u32 s26, s23  }
0x15: {  	[dreg:$0xb] =	wrdreg s5;
	s26 =	smax.u32 s8, $0x1;
	s21 =	simm.s32 $0x1  }
0x16: {  	s5 =	simm.s32 $0x3;
	s7 =	simm.s32 $0x6;
	[dreg:$0x9] =	wrdreg s6  }
0x17: {  	s8 =	simm.s32 $0x7;
	s1 =	sshrl.u32 s1, $0x3;
	[dreg:$0xe] =	wrdreg s26  }
0x18: {  	s26 =	simm.s32 $0xC680;
	s22 =	sadd.s32 s15, s16;
	s15 =	sadd.s32 s15, s18  }
0x19: {  	s0 =	sadd.s32 s0, s1;
	s1 =	simm.s32 $0xF680;
	s6 =	sshrl.u32 s22, $0x3  }
0x1a: {  	s24 =	sshrl.u32 s15, $0x3;
	[dreg:$0xc] =	wrdreg s0;
	s22 =	simm.s32 $0x4  }
0x1b: {  	s0 =	simm.s32 $0xE680;
	s6 =	sadd.s32 s14, s6;
	s25 =	sadd.s32 s14, s24  }
0x1c: {  	s24 =	simm.s32 $0x1A680;
	s14 =	simm.s32 $0x8;
	[dreg:$0xa] =	wrdreg s6  }
0x1d: {  	v0 =	vimm.f32 $0.0e+00;
	v1 =	vimm.s32 $0x0;
	v2 =	vimm.f32 $1.000000000e+00;
	[dreg:$0xd] =	wrdreg s25;
	s25 =	simm.s32 $0x80;
	s6 =	simm.s32 $0x5  }
.LBB2_1:
0x1e: {  	s15 =	simm.s32 $0x0  }
.LBB2_2:
0x1f: {  	p1 =	sne.s32 s15, $0x3F80  }
.Ltmp0:
0x20: {  	_ = 	snop;
	(pc) =	sbr.rel @p1 .LBB2_2-.Ltmp0, $4  }
0x21: {  	_ = 	snop  }
0x22: {  	s16 =	sshra.s32 s15, $0x2  }
0x23: {  	[tilespmem:s16+$0x1A680] =	vst v0  }
0x24: {  	s15 =	sadd.s32 $0x80, s15;
	[tilespmem:s16+$0x1A690] =	vst v0  }
0x25: {  	s15 =	simm.s32 $0x40;
	s16 =	simm.s32 $0x0  }
.LBB2_4:
0x26: {  	p1 =	sne.s32 s15, $0x9DC0;
	[tilespmem:s16+$0x9F00] =	vst v0;
	s16 =	smov.u32 s15;
	s15 =	sadd.s32 $0x40, s15  }
.Ltmp1:
0x27: {  	(pc) =	sbr.rel @p1 .LBB2_4-.Ltmp1, $2  }
0x28: {  	_ =	sdelay $0x2  }
0x29: {  	s16 =	sshra.s32 s16, $0x2  }
0x2a: {  	[tilespmem:s16+$0x9F00] =	vst v0;
	s23 =	simm.s32 $0x0;
	s15 =	rddreg [dreg:$0x6]  }
0x2b: {  	[tilespmem:s19], [sflag:$0x9] =	stream.linear.gather [hbm4b:s15+s23], $0x5000, $0x38;
	[tilespmem:$0x1B680] =	vst v63  }
0x2c: {  	_ =	swait.ge [sflag:s20], $0x5000  }
0x2d: {  	[sflag:s20] =	ssyncset.done $0x0  }
0x2e: {  	s16 =	rddreg [dreg:$0x7];
	[sflag:s20] =	ssyncadd.s32 $0xFFFFB000  }
0x2f: {  	[tilespmem:s23], [sflag:$0x9] =	stream.linear.gather [hbm4b:s16+s23], $0x5000, $0x38;
	[tilespmem:$0x1B680] =	vst v63  }
0x30: {  	_ =	swait.ge [sflag:s20], $0x5000  }
0x31: {  	[sflag:s20] =	ssyncset.done $0x0  }
0x32: {  	[sflag:s20] =	ssyncadd.s32 $0xFFFFB000  }
0x33: {  	[tilespmem:$0x15680] =	vst v1  }
0x34: {  	[tilespmem:$0x15690] =	vst v1  }
0x35: {  	[tilespmem:$0x156A0] =	vst v1  }
0x36: {  	[tilespmem:$0x156B0] =	vst v1  }
0x37: {  	[tilespmem:$0x156C0] =	vst v1  }
0x38: {  	[tilespmem:$0x156D0] =	vst v1  }
0x39: {  	[tilespmem:$0x156E0] =	vst v1  }
0x3a: {  	[tilespmem:$0x156F0] =	vst v1  }
0x3b: {  	[tilespmem:$0x15700] =	vst v1  }
0x3c: {  	[tilespmem:$0x15710] =	vst v1  }
0x3d: {  	[tilespmem:$0x15720] =	vst v1  }
0x3e: {  	[tilespmem:$0x15730] =	vst v1  }
0x3f: {  	[tilespmem:$0x15740] =	vst v1  }
0x40: {  	s17 =	stileid.u32;
	[tilespmem:$0x15750] =	vst v1  }
0x41: {  	s15 =	sshll.u32 s17, $0x6;
	s18 =	rddreg [dreg:$0x8];
	[tilespmem:$0x15760] =	vst v1  }
0x42: {  	s15 =	sor.u32 $0x1C09, s15;
	s17 =	rddreg [dreg:$0x9];
	s16 =	sshrl.u32 s18, $0x3;
	[tilespmem:$0x15770] =	vst v1  }
0x43: {  	[spmem:s16@s22], [sflag:s15] =	dma.strided [hbm:s17@s28], $0x9C4, s21, $0x4   }
0x44: {  	_ =	swait.ge [sflag:s20], $0x9C4  }
0x45: {  	[sflag:s20] =	ssyncset.done $0x0  }
0x46: {  	[sflag:s20] =	ssyncadd.s32 $0xFFFFF63C  }
0x47: {  	[spmem:s9] =	stream.linear.scatter [tilespmem:s24], [sflag:$0x9], $0x1000, $0x38;
	[tilespmem:$0x1B680] =	vst v63  }
0x48: {  	_ =	swait.ge [sflag:s20], $0x1000  }
0x49: {  	[sflag:s20] =	ssyncset.done $0x0  }
0x4a: {  	[sflag:s20] =	ssyncadd.s32 $0xFFFFF000  }
0x4b: {  	[spmem:s10] =	stream.linear.scatter [tilespmem:s24], [sflag:$0x9], $0x1000, $0x38;
	[tilespmem:$0x1B680] =	vst v63  }
0x4c: {  	_ =	swait.ge [sflag:s20], $0x1000  }
0x4d: {  	[sflag:s20] =	ssyncset.done $0x0  }
0x4e: {  	[sflag:s20] =	ssyncadd.s32 $0xFFFFF000  }
0x4f: {  	[spmem:s11] =	stream.linear.scatter [tilespmem:s24], [sflag:$0x9], $0x1000, $0x38;
	[tilespmem:$0x1B680] =	vst v63  }
0x50: {  	_ =	swait.ge [sflag:s20], $0x1000  }
0x51: {  	[sflag:s20] =	ssyncset.done $0x0  }
0x52: {  	[sflag:s20] =	ssyncadd.s32 $0xFFFFF000  }
0x53: {  	[spmem:s12] =	stream.linear.scatter [tilespmem:s24], [sflag:$0x9], $0x1000, $0x38;
	[tilespmem:$0x1B680] =	vst v63  }
0x54: {  	_ =	swait.ge [sflag:s20], $0x1000  }
0x55: {  	[sflag:s20] =	ssyncset.done $0x0  }
0x56: {  	[sflag:s20] =	ssyncadd.s32 $0xFFFFF000  }
0x57: {  	[spmem:s13] =	stream.linear.scatter [tilespmem:s24], [sflag:$0x9], $0xF00, $0x38;
	[tilespmem:$0x1B680] =	vst v63  }
0x58: {  	_ =	swait.ge [sflag:s20], $0xF00  }
0x59: {  	[sflag:s20] =	ssyncset.done $0x0  }
0x5a: {  	[sflag:s20] =	ssyncadd.s32 $0xFFFFF100  }
0x5b: {  	[bflag:$0x0] =	sbarrier.arrive $0xFFFF  }
0x5c: {  	[tilespmem:s26], [sflag:$0x1] =	stream.indirect.gather [spmem:s2], $0x20, s19, s25, $0xb8;
	[tilespmem:$0x1B680] =	vst v63  }
0x5d: {  	s28 =	simm.s32 $0x10700  }
0x5e: {  	[tilespmem:s29], [sflag:$0x2] =	stream.indirect.gather [spmem:s2], $0x20, s28, s25, $0xb8;
	[tilespmem:$0x1B680] =	vst v63  }
.LBB2_6:
0x5f: {  	_ =	swait.ge [sflag:s21], $0x1000  }
0x60: {  	[sflag:s21] =	ssyncset.done $0x0  }
0x61: {  	s17 =	sshra.s32 s23, $0x2;
	[sflag:s21] =	ssyncadd.s32 $0xFFFFF000  }
0x62: {  	[spmem:s3] =	stream.indirect.scatter.add.f32 [tilespmem:s26], [sflag:$0x5], $0x20, s17, s25, $0xb8;
	[tilespmem:$0x1B680] =	vst v63  }
0x63: {  	v3 =	vld [tilespmem:s17+$0x0];
	_ =	sdelay $0x7  }
0x64: {  	[tilespmem:v3+s30+$0x0] =	vst.idx.add.f32.msk $0xffff, v2  }
0x65: {  	v3 =	vld [tilespmem:s17+$0x10];
	_ =	sdelay $0x7  }
0x66: {  	[tilespmem:v3+s30+$0x0] =	vst.idx.add.f32.msk $0xffff, v2  }
0x67: {  	v3 =	vld [tilespmem:s17+$0x20];
	_ =	sdelay $0x7  }
0x68: {  	[tilespmem:v3+s30+$0x0] =	vst.idx.add.f32.msk $0xffff, v2  }
0x69: {  	v3 =	vld [tilespmem:s17+$0x30];
	_ =	sdelay $0x7  }
0x6a: {  	[tilespmem:v3+s30+$0x0] =	vst.idx.add.f32.msk $0xffff, v2  }
0x6b: {  	v3 =	vld [tilespmem:s17+$0x40];
	_ =	sdelay $0x7  }
0x6c: {  	[tilespmem:v3+s30+$0x0] =	vst.idx.add.f32.msk $0xffff, v2  }
0x6d: {  	v3 =	vld [tilespmem:s17+$0x50];
	_ =	sdelay $0x7  }
0x6e: {  	[tilespmem:v3+s30+$0x0] =	vst.idx.add.f32.msk $0xffff, v2  }
0x6f: {  	v3 =	vld [tilespmem:s17+$0x60];
	_ =	sdelay $0x7  }
0x70: {  	[tilespmem:v3+s30+$0x0] =	vst.idx.add.f32.msk $0xffff, v2  }
0x71: {  	v3 =	vld [tilespmem:s17+$0x70];
	_ =	sdelay $0x6  }
0x72: {  	p1 =	seq.s32 s23, $0x0  }
0x73: {  	s18 =	simm.s32 @!p1 $0x7;
	[tilespmem:v3+s30+$0x0] =	vst.idx.add.f32.msk $0xffff, v2  }
0x74: {  	s28 =	sshra.s32 @!p1 s23, $0x2;
	_ =	swait.ge @!p1 [sflag:s18], $0x1000  }
0x75: {  	s19 =	sadd.s32 @!p1 $0x10780, s28;
	[sflag:s18] =	ssyncset.done @!p1 $0x0  }
0x76: {  	s19 =	simm.s32 @p1 $0x10780;
	[sflag:s18] =	ssyncadd.s32 @!p1 $0xFFFFF000  }
0x77: {  	[tilespmem:s0], [sflag:$0x3] =	stream.indirect.gather [spmem:s2], $0x20, s19, s25, $0xb8;
	[tilespmem:$0x1B680] =	vst v63  }
0x78: {  	_ =	swait.ge [sflag:s31], $0x1000  }
0x79: {  	[sflag:s31] =	ssyncset.done $0x0  }
0x7a: {  	s19 =	sadd.s32 $0x80, s17;
	[sflag:s31] =	ssyncadd.s32 $0xFFFFF000  }
0x7b: {  	[spmem:s3] =	stream.indirect.scatter.add.f32 [tilespmem:s29], [sflag:$0x6], $0x20, s19, s25, $0xb8;
	[tilespmem:$0x1B680] =	vst v63  }
0x7c: {  	v3 =	vld [tilespmem:s17+$0x80];
	_ =	sdelay $0x7  }
0x7d: {  	[tilespmem:v3+s30+$0x0] =	vst.idx.add.f32.msk $0xffff, v2  }
0x7e: {  	v3 =	vld [tilespmem:s17+$0x90];
	_ =	sdelay $0x7  }
0x7f: {  	[tilespmem:v3+s30+$0x0] =	vst.idx.add.f32.msk $0xffff, v2  }
0x80: {  	v3 =	vld [tilespmem:s17+$0xA0];
	_ =	sdelay $0x7  }
0x81: {  	[tilespmem:v3+s30+$0x0] =	vst.idx.add.f32.msk $0xffff, v2  }
0x82: {  	v3 =	vld [tilespmem:s17+$0xB0];
	_ =	sdelay $0x7  }
0x83: {  	[tilespmem:v3+s30+$0x0] =	vst.idx.add.f32.msk $0xffff, v2  }
0x84: {  	v3 =	vld [tilespmem:s17+$0xC0];
	_ =	sdelay $0x7  }
0x85: {  	[tilespmem:v3+s30+$0x0] =	vst.idx.add.f32.msk $0xffff, v2  }
0x86: {  	v3 =	vld [tilespmem:s17+$0xD0];
	_ =	sdelay $0x7  }
0x87: {  	[tilespmem:v3+s30+$0x0] =	vst.idx.add.f32.msk $0xffff, v2  }
0x88: {  	v3 =	vld [tilespmem:s17+$0xE0];
	_ =	sdelay $0x7  }
0x89: {  	[tilespmem:v3+s30+$0x0] =	vst.idx.add.f32.msk $0xffff, v2  }
0x8a: {  	v3 =	vld [tilespmem:s17+$0xF0];
	_ =	sdelay $0x7  }
0x8b: {  	s18 =	simm.s32 @!p1 $0x8;
	[tilespmem:v3+s30+$0x0] =	vst.idx.add.f32.msk $0xffff, v2  }
0x8c: {  	_ =	swait.ge @!p1 [sflag:s18], $0x1000  }
0x8d: {  	s19 =	sadd.s32 @!p1 $0x10800, s28;
	[sflag:s18] =	ssyncset.done @!p1 $0x0  }
0x8e: {  	s19 =	simm.s32 @p1 $0x10800;
	[sflag:s18] =	ssyncadd.s32 @!p1 $0xFFFFF000  }
0x8f: {  	[tilespmem:s1], [sflag:$0x4] =	stream.indirect.gather [spmem:s2], $0x20, s19, s25, $0xb8;
	[tilespmem:$0x1B680] =	vst v63  }
0x90: {  	_ =	swait.ge [sflag:s5], $0x1000  }
0x91: {  	[sflag:s5] =	ssyncset.done $0x0  }
0x92: {  	s28 =	sadd.s32 $0x100, s17;
	[sflag:s5] =	ssyncadd.s32 $0xFFFFF000  }
0x93: {  	[spmem:s3] =	stream.indirect.scatter.add.f32 [tilespmem:s0], [sflag:$0x7], $0x20, s28, s25, $0xb8;
	[tilespmem:$0x1B680] =	vst v63  }
0x94: {  	v3 =	vld [tilespmem:s17+$0x100];
	_ =	sdelay $0x7  }
0x95: {  	[tilespmem:v3+s30+$0x0] =	vst.idx.add.f32.msk $0xffff, v2  }
0x96: {  	v3 =	vld [tilespmem:s17+$0x110];
	_ =	sdelay $0x7  }
0x97: {  	[tilespmem:v3+s30+$0x0] =	vst.idx.add.f32.msk $0xffff, v2  }
0x98: {  	v3 =	vld [tilespmem:s17+$0x120];
	_ =	sdelay $0x7  }
0x99: {  	[tilespmem:v3+s30+$0x0] =	vst.idx.add.f32.msk $0xffff, v2  }
0x9a: {  	v3 =	vld [tilespmem:s17+$0x130];
	_ =	sdelay $0x7  }
0x9b: {  	[tilespmem:v3+s30+$0x0] =	vst.idx.add.f32.msk $0xffff, v2  }
0x9c: {  	v3 =	vld [tilespmem:s17+$0x140];
	_ =	sdelay $0x7  }
0x9d: {  	[tilespmem:v3+s30+$0x0] =	vst.idx.add.f32.msk $0xffff, v2  }
0x9e: {  	v3 =	vld [tilespmem:s17+$0x150];
	_ =	sdelay $0x7  }
0x9f: {  	[tilespmem:v3+s30+$0x0] =	vst.idx.add.f32.msk $0xffff, v2  }
0xa0: {  	v3 =	vld [tilespmem:s17+$0x160];
	_ =	sdelay $0x7  }
0xa1: {  	[tilespmem:v3+s30+$0x0] =	vst.idx.add.f32.msk $0xffff, v2  }
0xa2: {  	v3 =	vld [tilespmem:s17+$0x170];
	_ =	sdelay $0x7  }
0xa3: {  	[tilespmem:v3+s30+$0x0] =	vst.idx.add.f32.msk $0xffff, v2  }
0xa4: {  	_ =	swait.ge [sflag:s6], $0x1000  }
0xa5: {  	[sflag:s6] =	ssyncset.done $0x0  }
0xa6: {  	s19 =	sadd.s32 $0x10880, s17;
	[sflag:s6] =	ssyncadd.s32 $0xFFFFF000  }
0xa7: {  	[tilespmem:s26], [sflag:$0x1] =	stream.indirect.gather [spmem:s2], $0x20, s19, s25, $0xb8;
	[tilespmem:$0x1B680] =	vst v63  }
0xa8: {  	_ =	swait.ge [sflag:s22], $0x1000  }
0xa9: {  	[sflag:s22] =	ssyncset.done $0x0  }
0xaa: {  	s28 =	sadd.s32 $0x180, s17;
	[sflag:s22] =	ssyncadd.s32 $0xFFFFF000  }
0xab: {  	[spmem:s3] =	stream.indirect.scatter.add.f32 [tilespmem:s1], [sflag:$0x8], $0x20, s28, s25, $0xb8;
	[tilespmem:$0x1B680] =	vst v63  }
0xac: {  	v3 =	vld [tilespmem:s17+$0x180];
	_ =	sdelay $0x7  }
0xad: {  	[tilespmem:v3+s30+$0x0] =	vst.idx.add.f32.msk $0xffff, v2  }
0xae: {  	v3 =	vld [tilespmem:s17+$0x190];
	_ =	sdelay $0x7  }
0xaf: {  	[tilespmem:v3+s30+$0x0] =	vst.idx.add.f32.msk $0xffff, v2  }
0xb0: {  	v3 =	vld [tilespmem:s17+$0x1A0];
	_ =	sdelay $0x7  }
0xb1: {  	[tilespmem:v3+s30+$0x0] =	vst.idx.add.f32.msk $0xffff, v2  }
0xb2: {  	v3 =	vld [tilespmem:s17+$0x1B0];
	_ =	sdelay $0x7  }
0xb3: {  	[tilespmem:v3+s30+$0x0] =	vst.idx.add.f32.msk $0xffff, v2  }
0xb4: {  	v3 =	vld [tilespmem:s17+$0x1C0];
	_ =	sdelay $0x7  }
0xb5: {  	[tilespmem:v3+s30+$0x0] =	vst.idx.add.f32.msk $0xffff, v2  }
0xb6: {  	v3 =	vld [tilespmem:s17+$0x1D0];
	_ =	sdelay $0x7  }
0xb7: {  	[tilespmem:v3+s30+$0x0] =	vst.idx.add.f32.msk $0xffff, v2  }
0xb8: {  	v3 =	vld [tilespmem:s17+$0x1E0];
	_ =	sdelay $0x7  }
0xb9: {  	[tilespmem:v3+s30+$0x0] =	vst.idx.add.f32.msk $0xffff, v2  }
0xba: {  	v3 =	vld [tilespmem:s17+$0x1F0];
	_ =	sdelay $0x5  }
0xbb: {  	s23 =	sadd.s32 $0x800, s23  }
0xbc: {  	p1 =	sne.s32 s23, $0x14000  }
.Ltmp2:
0xbd: {  	[tilespmem:v3+s30+$0x0] =	vst.idx.add.f32.msk $0xffff, v2;
	(pc) =	sbr.rel @p1 .LBB2_6-.Ltmp2, $4  }
0xbe: {  	_ =	swait.ge [sflag:s7], $0x1000  }
0xbf: {  	[sflag:s7] =	ssyncset.done $0x0  }
0xc0: {  	s17 =	sadd.s32 $0x10900, s17;
	[sflag:s7] =	ssyncadd.s32 $0xFFFFF000  }
0xc1: {  	[tilespmem:s29], [sflag:$0x2] =	stream.indirect.gather [spmem:s2], $0x20, s17, s25, $0xb8;
	[tilespmem:$0x1B680] =	vst v63  }
0xc2: {  	_ =	swait.ge [sflag:s8], $0x1000  }
0xc3: {  	[sflag:s8] =	ssyncset.done $0x0  }
0xc4: {  	[sflag:s8] =	ssyncadd.s32 $0xFFFFF000  }
0xc5: {  	_ =	swait.ge [sflag:s21], $0x1000  }
0xc6: {  	[sflag:s21] =	ssyncset.done $0x0  }
0xc7: {  	[sflag:s21] =	ssyncadd.s32 $0xFFFFF000  }
0xc8: {  	_ =	swait.ge [sflag:s14], $0x1000  }
0xc9: {  	[sflag:s14] =	ssyncset.done $0x0  }
0xca: {  	[sflag:s14] =	ssyncadd.s32 $0xFFFFF000  }
0xcb: {  	_ =	swait.ge [sflag:s31], $0x1000  }
0xcc: {  	[sflag:s31] =	ssyncset.done $0x0  }
0xcd: {  	[sflag:s31] =	ssyncadd.s32 $0xFFFFF000  }
0xce: {  	[bflag:$0x0] =	sbarrier.arrive $0xFFFF  }
0xcf: {  	s23 =	sshrl.u32 s9, $0x3;
	s17 =	rddreg [dreg:$0xa]  }
0xd0: {  	[hbm:s17], [sflag:s15] =	dma.local [spmem:s23], $0x9E0  }
0xd1: {  	_ =	swait.ge [sflag:s20], $0x9E0  }
0xd2: {  	s18 =	simm.s32 @!p0 $0x9F00;
	[sflag:s20] =	ssyncset.done $0x0  }
0xd3: {  	s17 =	simm.s32 @!p0 $0x0;
	s19 =	rddreg [dreg:$0xb];
	[sflag:s20] =	ssyncadd.s32 $0xFFFFF620  }
0xd4: {  	[hbm4b:s19+s17] =	stream.linear.scatter @!p0 [tilespmem:s18], [sflag:$0x9], $0x2780, $0x38;
	[tilespmem:$0x1B680] =	vst v63  }
0xd5: {  	s17 =	simm.s32 @!p0 $0x9  }
0xd6: {  	_ =	swait.ge @!p0 [sflag:s17], $0x2780  }
0xd7: {  	[sflag:s17] =	ssyncset.done @!p0 $0x0  }
0xd8: {  	s28 =	simm.s32 $0x10;
	s19 =	rddreg [dreg:$0xc];
	[sflag:s17] =	ssyncadd.s32 @!p0 $0xFFFFD880  }
0xd9: {  	[spmem:s16@s22], [sflag:s15] =	dma.strided [hbm:s19@s28], $0x9C4, s21, $0x4   }
0xda: {  	_ =	swait.ge [sflag:s20], $0x9C4  }
0xdb: {  	[sflag:s20] =	ssyncset.done $0x0  }
0xdc: {  	[sflag:s20] =	ssyncadd.s32 $0xFFFFF63C  }
0xdd: {  	[spmem:s9] =	stream.linear.scatter [tilespmem:s24], [sflag:$0x9], $0x1000, $0x38;
	[tilespmem:$0x1B680] =	vst v63  }
0xde: {  	_ =	swait.ge [sflag:s20], $0x1000  }
0xdf: {  	[sflag:s20] =	ssyncset.done $0x0  }
0xe0: {  	[sflag:s20] =	ssyncadd.s32 $0xFFFFF000  }
0xe1: {  	[spmem:s10] =	stream.linear.scatter [tilespmem:s24], [sflag:$0x9], $0x1000, $0x38;
	[tilespmem:$0x1B680] =	vst v63  }
0xe2: {  	_ =	swait.ge [sflag:s20], $0x1000  }
0xe3: {  	[sflag:s20] =	ssyncset.done $0x0  }
0xe4: {  	[sflag:s20] =	ssyncadd.s32 $0xFFFFF000  }
0xe5: {  	[spmem:s11] =	stream.linear.scatter [tilespmem:s24], [sflag:$0x9], $0x1000, $0x38;
	[tilespmem:$0x1B680] =	vst v63  }
0xe6: {  	_ =	swait.ge [sflag:s20], $0x1000  }
0xe7: {  	[sflag:s20] =	ssyncset.done $0x0  }
0xe8: {  	[sflag:s20] =	ssyncadd.s32 $0xFFFFF000  }
0xe9: {  	[spmem:s12] =	stream.linear.scatter [tilespmem:s24], [sflag:$0x9], $0x1000, $0x38;
	[tilespmem:$0x1B680] =	vst v63  }
0xea: {  	_ =	swait.ge [sflag:s20], $0x1000  }
0xeb: {  	[sflag:s20] =	ssyncset.done $0x0  }
0xec: {  	[sflag:s20] =	ssyncadd.s32 $0xFFFFF000  }
0xed: {  	[spmem:s13] =	stream.linear.scatter [tilespmem:s24], [sflag:$0x9], $0xF00, $0x38;
	[tilespmem:$0x1B680] =	vst v63  }
0xee: {  	_ =	swait.ge [sflag:s20], $0xF00  }
0xef: {  	[sflag:s20] =	ssyncset.done $0x0  }
0xf0: {  	[sflag:s20] =	ssyncadd.s32 $0xFFFFF100  }
0xf1: {  	s19 =	simm.s32 $0x10680;
	[bflag:$0x0] =	sbarrier.arrive $0xFFFF  }
0xf2: {  	[tilespmem:s26], [sflag:$0x1] =	stream.indirect.gather [spmem:s2], $0x20, s19, s25, $0xb8;
	[tilespmem:$0x1B680] =	vst v63  }
0xf3: {  	s18 =	simm.s32 $0x10700  }
0xf4: {  	[tilespmem:s29], [sflag:$0x2] =	stream.indirect.gather [spmem:s2], $0x20, s18, s25, $0xb8;
	[tilespmem:$0x1B680] =	vst v63  }
0xf5: {  	_ =	swait.ge [sflag:s21], $0x1000  }
0xf6: {  	[sflag:s21] =	ssyncset.done $0x0  }
0xf7: {  	s17 =	simm.s32 $0x0;
	[sflag:s21] =	ssyncadd.s32 $0xFFFFF000  }
0xf8: {  	[spmem:s3] =	stream.indirect.scatter.add.f32 [tilespmem:s26], [sflag:$0x5], $0x20, s17, s25, $0xb8;
	[tilespmem:$0x1B680] =	vst v63  }
0xf9: {  	s18 =	simm.s32 $0x10780  }
0xfa: {  	[tilespmem:s0], [sflag:$0x3] =	stream.indirect.gather [spmem:s2], $0x20, s18, s25, $0xb8;
	[tilespmem:$0x1B680] =	vst v63  }
0xfb: {  	_ =	swait.ge [sflag:s31], $0x1000  }
0xfc: {  	[sflag:s31] =	ssyncset.done $0x0  }
0xfd: {  	[sflag:s31] =	ssyncadd.s32 $0xFFFFF000  }
0xfe: {  	[spmem:s3] =	stream.indirect.scatter.add.f32 [tilespmem:s29], [sflag:$0x6], $0x20, s25, s25, $0xb8;
	[tilespmem:$0x1B680] =	vst v63  }
0xff: {  	s17 =	simm.s32 $0x10800  }
0x100: {  	[tilespmem:s1], [sflag:$0x4] =	stream.indirect.gather [spmem:s2], $0x20, s17, s25, $0xb8;
	[tilespmem:$0x1B680] =	vst v63  }
0x101: {  	_ =	swait.ge [sflag:s5], $0x1000  }
0x102: {  	[sflag:s5] =	ssyncset.done $0x0  }
0x103: {  	s18 =	simm.s32 $0x100;
	[sflag:s5] =	ssyncadd.s32 $0xFFFFF000  }
0x104: {  	[spmem:s3] =	stream.indirect.scatter.add.f32 [tilespmem:s0], [sflag:$0x7], $0x20, s18, s25, $0xb8;
	[tilespmem:$0x1B680] =	vst v63  }
0x105: {  	_ =	swait.ge [sflag:s6], $0x1000  }
0x106: {  	[sflag:s6] =	ssyncset.done $0x0  }
0x107: {  	s17 =	simm.s32 $0x10880;
	[sflag:s6] =	ssyncadd.s32 $0xFFFFF000  }
0x108: {  	[tilespmem:s26], [sflag:$0x1] =	stream.indirect.gather [spmem:s2], $0x20, s17, s25, $0xb8;
	[tilespmem:$0x1B680] =	vst v63  }
0x109: {  	_ =	swait.ge [sflag:s22], $0x1000  }
0x10a: {  	[sflag:s22] =	ssyncset.done $0x0  }
0x10b: {  	s18 =	simm.s32 $0x180;
	[sflag:s22] =	ssyncadd.s32 $0xFFFFF000  }
0x10c: {  	[spmem:s3] =	stream.indirect.scatter.add.f32 [tilespmem:s1], [sflag:$0x8], $0x20, s18, s25, $0xb8;
	[tilespmem:$0x1B680] =	vst v63  }
0x10d: {  	_ =	swait.ge [sflag:s7], $0x1000  }
0x10e: {  	[sflag:s7] =	ssyncset.done $0x0  }
0x10f: {  	s17 =	simm.s32 $0x10900;
	[sflag:s7] =	ssyncadd.s32 $0xFFFFF000  }
0x110: {  	[tilespmem:s29], [sflag:$0x2] =	stream.indirect.gather [spmem:s2], $0x20, s17, s25, $0xb8;
	[tilespmem:$0x1B680] =	vst v63  }
0x111: {  	_ =	swait.ge [sflag:s21], $0x1000  }
0x112: {  	[sflag:s21] =	ssyncset.done $0x0  }
0x113: {  	s18 =	simm.s32 $0x200;
	[sflag:s21] =	ssyncadd.s32 $0xFFFFF000  }
0x114: {  	[spmem:s3] =	stream.indirect.scatter.add.f32 [tilespmem:s26], [sflag:$0x5], $0x20, s18, s25, $0xb8;
	[tilespmem:$0x1B680] =	vst v63  }
0x115: {  	_ =	swait.ge [sflag:s8], $0x1000  }
0x116: {  	[sflag:s8] =	ssyncset.done $0x0  }
0x117: {  	s17 =	simm.s32 $0x10980;
	[sflag:s8] =	ssyncadd.s32 $0xFFFFF000  }
0x118: {  	[tilespmem:s0], [sflag:$0x3] =	stream.indirect.gather [spmem:s2], $0x20, s17, s25, $0xb8;
	[tilespmem:$0x1B680] =	vst v63  }
0x119: {  	_ =	swait.ge [sflag:s31], $0x1000  }
0x11a: {  	[sflag:s31] =	ssyncset.done $0x0  }
0x11b: {  	s18 =	simm.s32 $0x280;
	[sflag:s31] =	ssyncadd.s32 $0xFFFFF000  }
0x11c: {  	[spmem:s3] =	stream.indirect.scatter.add.f32 [tilespmem:s29], [sflag:$0x6], $0x20, s18, s25, $0xb8;
	[tilespmem:$0x1B680] =	vst v63  }
0x11d: {  	_ =	swait.ge [sflag:s14], $0x1000  }
0x11e: {  	[sflag:s14] =	ssyncset.done $0x0  }
0x11f: {  	s17 =	simm.s32 $0x10A00;
	[sflag:s14] =	ssyncadd.s32 $0xFFFFF000  }
0x120: {  	[tilespmem:s1], [sflag:$0x4] =	stream.indirect.gather [spmem:s2], $0x20, s17, s25, $0xb8;
	[tilespmem:$0x1B680] =	vst v63  }
0x121: {  	_ =	swait.ge [sflag:s5], $0x1000  }
0x122: {  	[sflag:s5] =	ssyncset.done $0x0  }
0x123: {  	s18 =	simm.s32 $0x300;
	[sflag:s5] =	ssyncadd.s32 $0xFFFFF000  }
0x124: {  	[spmem:s3] =	stream.indirect.scatter.add.f32 [tilespmem:s0], [sflag:$0x7], $0x20, s18, s25, $0xb8;
	[tilespmem:$0x1B680] =	vst v63  }
0x125: {  	_ =	swait.ge [sflag:s6], $0x1000  }
0x126: {  	[sflag:s6] =	ssyncset.done $0x0  }
0x127: {  	s17 =	simm.s32 $0x10A80;
	[sflag:s6] =	ssyncadd.s32 $0xFFFFF000  }
0x128: {  	[tilespmem:s26], [sflag:$0x1] =	stream.indirect.gather [spmem:s2], $0x20, s17, s25, $0xb8;
	[tilespmem:$0x1B680] =	vst v63  }
0x129: {  	_ =	swait.ge [sflag:s22], $0x1000  }
0x12a: {  	[sflag:s22] =	ssyncset.done $0x0  }
0x12b: {  	s18 =	simm.s32 $0x380;
	[sflag:s22] =	ssyncadd.s32 $0xFFFFF000  }
0x12c: {  	[spmem:s3] =	stream.indirect.scatter.add.f32 [tilespmem:s1], [sflag:$0x8], $0x20, s18, s25, $0xb8;
	[tilespmem:$0x1B680] =	vst v63  }
0x12d: {  	_ =	swait.ge [sflag:s7], $0x1000  }
0x12e: {  	[sflag:s7] =	ssyncset.done $0x0  }
0x12f: {  	s16 =	simm.s32 $0x800;
	s17 =	simm.s32 $0x10B00;
	[sflag:s7] =	ssyncadd.s32 $0xFFFFF000  }
.LBB2_8:
0x130: {  	[tilespmem:s29], [sflag:$0x2] =	stream.indirect.gather [spmem:s2], $0x20, s17, s25, $0xb8;
	[tilespmem:$0x1B680] =	vst v63  }
0x131: {  	s17 =	smov.u32 s16  }
0x132: {  	p1 =	sne.s32 s16, $0x13000;
	s16 =	sadd.s32 $0x800, s16;
	_ =	swait.ge [sflag:s21], $0x1000  }
0x133: {  	s17 =	sshra.s32 s17, $0x2;
	[sflag:s21] =	ssyncset.done $0x0  }
0x134: {  	s18 =	sadd.s32 $0x200, s17;
	[sflag:s21] =	ssyncadd.s32 $0xFFFFF000  }
0x135: {  	[spmem:s3] =	stream.indirect.scatter.add.f32 [tilespmem:s26], [sflag:$0x5], $0x20, s18, s25, $0xb8;
	[tilespmem:$0x1B680] =	vst v63  }
0x136: {  	_ =	swait.ge [sflag:s8], $0x1000  }
0x137: {  	[sflag:s8] =	ssyncset.done $0x0  }
0x138: {  	s18 =	sadd.s32 $0x10980, s17;
	[sflag:s8] =	ssyncadd.s32 $0xFFFFF000  }
0x139: {  	[tilespmem:s0], [sflag:$0x3] =	stream.indirect.gather [spmem:s2], $0x20, s18, s25, $0xb8;
	[tilespmem:$0x1B680] =	vst v63  }
0x13a: {  	_ =	swait.ge [sflag:s31], $0x1000  }
0x13b: {  	[sflag:s31] =	ssyncset.done $0x0  }
0x13c: {  	s18 =	sadd.s32 $0x280, s17;
	[sflag:s31] =	ssyncadd.s32 $0xFFFFF000  }
0x13d: {  	[spmem:s3] =	stream.indirect.scatter.add.f32 [tilespmem:s29], [sflag:$0x6], $0x20, s18, s25, $0xb8;
	[tilespmem:$0x1B680] =	vst v63  }
0x13e: {  	_ =	swait.ge [sflag:s14], $0x1000  }
0x13f: {  	[sflag:s14] =	ssyncset.done $0x0  }
0x140: {  	s18 =	sadd.s32 $0x10A00, s17;
	[sflag:s14] =	ssyncadd.s32 $0xFFFFF000  }
0x141: {  	[tilespmem:s1], [sflag:$0x4] =	stream.indirect.gather [spmem:s2], $0x20, s18, s25, $0xb8;
	[tilespmem:$0x1B680] =	vst v63  }
0x142: {  	_ =	swait.ge [sflag:s5], $0x1000  }
0x143: {  	[sflag:s5] =	ssyncset.done $0x0  }
0x144: {  	s18 =	sadd.s32 $0x300, s17;
	[sflag:s5] =	ssyncadd.s32 $0xFFFFF000  }
0x145: {  	[spmem:s3] =	stream.indirect.scatter.add.f32 [tilespmem:s0], [sflag:$0x7], $0x20, s18, s25, $0xb8;
	[tilespmem:$0x1B680] =	vst v63  }
0x146: {  	_ =	swait.ge [sflag:s6], $0x1000  }
0x147: {  	[sflag:s6] =	ssyncset.done $0x0  }
0x148: {  	s18 =	sadd.s32 $0x10A80, s17;
	[sflag:s6] =	ssyncadd.s32 $0xFFFFF000  }
0x149: {  	[tilespmem:s26], [sflag:$0x1] =	stream.indirect.gather [spmem:s2], $0x20, s18, s25, $0xb8;
	[tilespmem:$0x1B680] =	vst v63  }
0x14a: {  	_ =	swait.ge [sflag:s22], $0x1000  }
0x14b: {  	[sflag:s22] =	ssyncset.done $0x0  }
.Ltmp3:
0x14c: {  	s18 =	sadd.s32 $0x380, s17;
	[sflag:s22] =	ssyncadd.s32 $0xFFFFF000;
	(pc) =	sbr.rel @p1 .LBB2_8-.Ltmp3, $4  }
0x14d: {  	[spmem:s3] =	stream.indirect.scatter.add.f32 [tilespmem:s1], [sflag:$0x8], $0x20, s18, s25, $0xb8;
	[tilespmem:$0x1B680] =	vst v63  }
0x14e: {  	_ =	swait.ge [sflag:s7], $0x1000  }
0x14f: {  	[sflag:s7] =	ssyncset.done $0x0  }
0x150: {  	s17 =	sadd.s32 $0x10B00, s17;
	[sflag:s7] =	ssyncadd.s32 $0xFFFFF000  }
0x151: {  	[tilespmem:s29], [sflag:$0x2] =	stream.indirect.gather [spmem:s2], $0x20, s17, s25, $0xb8;
	[tilespmem:$0x1B680] =	vst v63  }
0x152: {  	_ =	swait.ge [sflag:s8], $0x1000  }
0x153: {  	[sflag:s8] =	ssyncset.done $0x0  }
0x154: {  	[sflag:s8] =	ssyncadd.s32 $0xFFFFF000  }
0x155: {  	_ =	swait.ge [sflag:s21], $0x1000  }
0x156: {  	[sflag:s21] =	ssyncset.done $0x0  }
0x157: {  	[sflag:s21] =	ssyncadd.s32 $0xFFFFF000  }
0x158: {  	_ =	swait.ge [sflag:s14], $0x1000  }
0x159: {  	[sflag:s14] =	ssyncset.done $0x0  }
0x15a: {  	[sflag:s14] =	ssyncadd.s32 $0xFFFFF000  }
0x15b: {  	_ =	swait.ge [sflag:s31], $0x1000  }
0x15c: {  	[sflag:s31] =	ssyncset.done $0x0  }
0x15d: {  	[sflag:s31] =	ssyncadd.s32 $0xFFFFF000  }
0x15e: {  	[bflag:$0x0] =	sbarrier.arrive $0xFFFF  }
0x15f: {  	s16 =	rddreg [dreg:$0xd]  }
0x160: {  	[hbm:s16], [sflag:s15] =	dma.local [spmem:s23], $0x9E0  }
0x161: {  	_ =	swait.ge [sflag:s20], $0x9E0  }
0x162: {  	s4 =	sadd.s32 $0x1, s4;
	s23 =	rddreg [dreg:$0xe]  }
0x163: {  	p1 =	sne.s32 s4, s23  }
.Ltmp4:
0x164: {  	_ = 	snop;
	(pc) =	sbr.rel @p1 .LBB2_1-.Ltmp4, $3  }
0x165: {  	_ =	sdelay $0x1  }
0x166: {  	[sflag:s20] =	ssyncset.done $0x0  }
0x167: {  	[sflag:s20] =	ssyncadd.s32 $0xFFFFF620  }
0x168: {  	_ =	sfence.sel $0x180000  }
0x169: {  	[bflag:$0x0] =	sbarrier.arrive $0xFFFF  }
0x16a: {  	_ =	strace $0x90000047  }
0x16b: {  	s0 =	stileid.u32;
	[bflag:$0x2] =	sbarrier.arrive $0xFFFF  }
0x16c: {  	p0 =	sne.s32 s0, $0x0;
	s0 =	rddreg [dreg:$0x5]  }
0x16d: {  	s0 =	sadd.s32 @!p0 $0x100000, s0  }
0x16e: {  	[sflag:s0] =	ssyncadd.tile.s32 @!p0 $0x1;
	_ =	shalt  }
.Lfunc_end2:
_tile_overlayer_lowered:
.L_overlay_start_2:
0x16f: {  	(tag) =	ssettag $0x2  }
0x170: {  	s0 =	rddreg [dreg:$0x0];
	s2 =	stileid.u32  }
0x171: {  	s1 =	rddreg [dreg:$0x1];
	p0 =	sne.s32 s2, $0x0  }
0x172: {  	s3 =	rddreg [dreg:$0x2];
	[bflag:$0x3] =	sbarrier.arrive $0xFFFF;
	s2 =	simm.s32 @!p0 $0x1C09  }
0x173: {  	[timem:s3], [sflag:s2] =	dma.local @!p0 [hbm:s0], s1  }
0x174: {  	s0 =	simm.s32 @!p0 $0x9  }
0x175: {  	_ =	swait.ge @!p0 [sflag:s0], s1  }
0x176: {  	s1 =	ssub.s32 @!p0 $0x0, s1;
	[sflag:s0] =	ssyncset.done @!p0 $0x0  }
0x177: {  	[sflag:s0] =	ssyncadd.s32 @!p0 s1  }
0x178: {  	[bflag:$0x3] =	sbarrier.arrive $0xFFFF  }
0x179: {  	_ =	shalt  }

</sc_bundles>
